<compile_context>
chip_gen: v7x
topology: tpu7x:2x2x1
jax: 0.10.2.dev20260603
libtpu: 0.0.44.dev20260713+nightly
codegen_flags: <defaults>
</compile_context>

<pallas_src>
import functools

import jax
import jax.numpy as jnp
from jax import lax
from jax.experimental import pallas as pl
from jax.experimental.pallas import tpu as pltpu
from jax.experimental.pallas import tpu_sc as plsc

_EPS = 1e-12

_NC = 2
_NS = 16
_NW = _NC * _NS


@functools.cache
def _sc_gather(m, v, e, chunk):
    per_w = m // _NW
    n_chunks = per_w // chunk
    mesh = plsc.VectorSubcoreMesh(core_axis_name="c", subcore_axis_name="s")

    @functools.partial(
        pl.kernel,
        out_type=jax.ShapeDtypeStruct((m, e), jnp.float32),
        mesh=mesh,
        scratch_types=[
            pltpu.VMEM((chunk,), jnp.int32),
            pltpu.VMEM((chunk, e), jnp.float32),
            pltpu.SemaphoreType.DMA,
        ],
    )
    def gather_kernel(table_hbm, idx_hbm, out_hbm, idx_v, rows_v, sem):
        wid = lax.axis_index("s") * _NC + lax.axis_index("c")
        base_w = wid * per_w
        for c in range(n_chunks):
            base = base_w + c * chunk
            pltpu.sync_copy(idx_hbm.at[pl.ds(base, chunk)], idx_v)
            pltpu.async_copy(table_hbm.at[idx_v], rows_v, sem).wait()
            pltpu.sync_copy(rows_v, out_hbm.at[pl.ds(base, chunk)])

    return gather_kernel


def _tc_body(x_ref, pos_ref, segf_ref, sege_ref, lnw_ref, lnb_ref, w_ref,
             b_ref, o_ref):
    x = x_ref[...]
    seg0 = sege_ref[0:1, :]
    seg1 = sege_ref[1:2, :]
    emb = x + pos_ref[...] + seg0 + segf_ref[...] * (seg1 - seg0)
    u = jnp.mean(emb, axis=1, keepdims=True)
    d = emb - u
    var = jnp.mean(d * d, axis=1, keepdims=True)
    o = d * lax.rsqrt(var + _EPS)
    o = o * lnw_ref[...] + lnb_ref[...]
    acc = lax.dot_general(
        o.astype(jnp.bfloat16), w_ref[...],
        (((1,), (1,)), ((), ())),
        preferred_element_type=jnp.float32,
    )
    o_ref[...] = acc + b_ref[...]


def _tc_fused(gathered, pos_emb, segf, seg_emb, lnw2, lnb2, proj_w, projb2, s):
    m, e = gathered.shape
    h = proj_w.shape[0]
    bm = 256
    grid = (m // bm,)
    return pl.pallas_call(
        _tc_body,
        grid=grid,
        in_specs=[
            pl.BlockSpec((bm, e), lambda i: (i, 0)),
            pl.BlockSpec((bm, e), lambda i: (i % (s // bm), 0)),
            pl.BlockSpec((bm, 1), lambda i: (i, 0)),
            pl.BlockSpec((2, e), lambda i: (0, 0)),
            pl.BlockSpec((1, e), lambda i: (0, 0)),
            pl.BlockSpec((1, e), lambda i: (0, 0)),
            pl.BlockSpec((h, e), lambda i: (0, 0)),
            pl.BlockSpec((1, h), lambda i: (0, 0)),
        ],
        out_specs=pl.BlockSpec((bm, h), lambda i: (i, 0)),
        out_shape=jax.ShapeDtypeStruct((m, h), jnp.float32),
        compiler_params=pltpu.CompilerParams(
            dimension_semantics=("arbitrary",),
        ),
    )(gathered, pos_emb, segf, seg_emb, lnw2, lnb2,
      proj_w.astype(jnp.bfloat16), projb2)


def kernel(token_ids, segment_ids, word_emb, pos_emb, seg_emb, ln_w, ln_b,
           proj_w, proj_b):
    b, s = token_ids.shape
    v, e = word_emb.shape
    h = proj_w.shape[0]
    m = b * s
    idx = token_ids.reshape(m).astype(jnp.int32)
    gathered = _sc_gather(m, v, e, 64)(word_emb, idx)
    segf = segment_ids.reshape(m, 1).astype(jnp.float32)
    out = _tc_fused(gathered, pos_emb, segf, seg_emb,
                    ln_w.reshape(1, e), ln_b.reshape(1, e),
                    proj_w, proj_b.reshape(1, h), s)
    return out.reshape(b, s, h)

# --- scband reference (transcript-rebuilt; emitter-appended) ---
"""Pipeline reference for scband-bert-embeddings-46523085750990 (READ-ONLY COPY).

The authoritative reference and input builder live on the scoring server;
editing this copy changes nothing except your own understanding.
"""

import jax, jax.numpy as jnp
import numpy as np

VOCAB = 100000
EMB = 1024
HID = 4096
MAXPOS = 8192
SEGV = 2
B, S = 4, 2048
EPS = 1e-12


def setup_inputs(seed: int = 0) -> dict:
    key = jax.random.key(seed)
    ks = jax.random.split(key, 8)
    token_ids = jax.random.randint(ks[0], (B, S), 0, VOCAB)
    segment_ids = jax.random.randint(ks[1], (B, S), 0, SEGV)
    word_emb = jax.random.normal(ks[2], (VOCAB, EMB), dtype=jnp.float32) * 0.02
    word_emb = word_emb.at[0].set(0.0)  # padding_idx=0
    pos_emb = jax.random.normal(ks[3], (MAXPOS, EMB), dtype=jnp.float32) * 0.02
    seg_emb = jax.random.normal(ks[4], (SEGV, EMB), dtype=jnp.float32) * 0.02
    ln_w = jnp.ones((EMB,), dtype=jnp.float32)
    ln_b = jnp.zeros((EMB,), dtype=jnp.float32)
    proj_w = jax.random.normal(ks[5], (HID, EMB), dtype=jnp.float32) * (1.0 / np.sqrt(EMB))
    proj_b = jnp.zeros((HID,), dtype=jnp.float32)
    return {"token_ids": token_ids, "segment_ids": segment_ids,
            "word_emb": word_emb, "pos_emb": pos_emb, "seg_emb": seg_emb,
            "ln_w": ln_w, "ln_b": ln_b, "proj_w": proj_w, "proj_b": proj_b}


def reference(token_ids, segment_ids, word_emb, pos_emb, seg_emb, ln_w, ln_b, proj_w, proj_b):
    seq_length = token_ids.shape[1]
    position_ids = jnp.arange(seq_length, dtype=jnp.int32)[None, :]
    position_ids = jnp.broadcast_to(position_ids, token_ids.shape)
    words_embeddings = jnp.take(word_emb, token_ids, axis=0)
    segment_embeddings = jnp.take(seg_emb, segment_ids, axis=0)
    embeddings = words_embeddings + segment_embeddings
    position_embeddings = jnp.take(pos_emb, position_ids, axis=0)
    embeddings = embeddings + position_embeddings
    # LayerNorm (eps=1e-12)
    u = jnp.mean(embeddings, axis=-1, keepdims=True)
    s = jnp.mean((embeddings - u) ** 2, axis=-1, keepdims=True)
    o = (embeddings - u) / jnp.sqrt(s + EPS)
    embeddings = ln_w * o + ln_b
    # dropout is identity in eval mode
    # embedding_hidden_mapping_in: Linear(EMB -> HID)
    out = jnp.einsum('bse,he->bsh', embeddings, proj_w) + proj_b
    return out

if __name__ == "__main__":
    import jax
    _d = setup_inputs()
    print(jax.jit(kernel)(*tuple(_d.values())))

</pallas_src>

<mosaic_0001>
#map = affine_map<(d0, d1) -> (0, 0)>
#map1 = affine_map<(d0, d1) -> (0)>
module attributes {stable_mosaic.version = 14 : i64} {
  func.func @gather_kernel(%arg0: i32, %arg1: i32, %arg2: memref<100000x1024xf32, #tpu.memory_space<hbm>>, %arg3: memref<8192xi32, #tpu.memory_space<hbm>>, %arg4: memref<8192x1024xf32, #tpu.memory_space<hbm>>, %arg5: memref<64xi32, #tpu.memory_space<vmem>>, %arg6: memref<64x1024xf32, #tpu.memory_space<vmem>>, %arg7: memref<!tpu.dma_semaphore, #tpu.memory_space<semaphore_mem>>) attributes {dimension_semantics = [#tpu.dimension_semantics<core_parallel>, #tpu.dimension_semantics<subcore_parallel>], iteration_bounds = array<i64: 2, 16>, scalar_prefetch = 0 : i64, scratch_operands = 3 : i64, tpu.core_type = #tpu.core_type<sc_vector_subcore>, window_params = [{transform_indices = #map}, {transform_indices = #map1}, {transform_indices = #map}]} {
    %mul3A = arith.constant 2 : i32
    %mul3A_0 = arith.muli %arg1, %mul3A : i32
    %add3A = arith.addi %mul3A_0, %arg0 : i32
    %mul3A_1 = arith.constant 256 : i32
    %mul3A_2 = arith.muli %add3A, %mul3A_1 : i32
    %add3A_3 = arith.constant 0 : i32
    %add3A_4 = arith.addi %mul3A_2, %add3A_3 : i32
    "tpu.region"() ({
      %run_scoped3A = tpu.sem_alloc : memref<!tpu.dma_semaphore, #tpu.memory_space<semaphore_mem>>
      %dma_start3A_33 = tpu.memref_slice %arg3[%add3A_4] : memref<8192xi32, #tpu.memory_space<hbm>> -> memref<64xi32, #tpu.memory_space<hbm>>
      %dma_start3A_34 = tpu.memref_slice %arg3[%add3A_4] : memref<8192xi32, #tpu.memory_space<hbm>> -> memref<64xi32, #tpu.memory_space<hbm>>
      tpu.enqueue_dma source(%dma_start3A_34 : memref<64xi32, #tpu.memory_space<hbm>>) target(%arg5 : memref<64xi32, #tpu.memory_space<vmem>>) target_semaphore(%run_scoped3A : memref<!tpu.dma_semaphore, #tpu.memory_space<semaphore_mem>>)
      %dma_wait3A_35 = tpu.memref_slice %arg3[%add3A_4] : memref<8192xi32, #tpu.memory_space<hbm>> -> memref<64xi32, #tpu.memory_space<hbm>>
      %dma_wait3A_36 = tpu.memref_slice %arg3[%add3A_4] : memref<8192xi32, #tpu.memory_space<hbm>> -> memref<64xi32, #tpu.memory_space<hbm>>
      tpu.wait_dma2 semaphore(%run_scoped3A : memref<!tpu.dma_semaphore, #tpu.memory_space<semaphore_mem>>) src(%dma_wait3A_36 : memref<64xi32, #tpu.memory_space<hbm>>) dst(%arg5 : memref<64xi32, #tpu.memory_space<vmem>>)
      tpu.yield
    }) : () -> ()
    %dma_start3A = arith.constant 0 : i32
    %dma_start3A_5 = arith.constant 0 : i32
    %dma_start3A_6 = tpu.memref_slice %arg2[%dma_start3A, %dma_start3A_5] : memref<100000x1024xf32, #tpu.memory_space<hbm>> -> memref<100000x1024xf32, #tpu.memory_space<hbm>>
    tpu.enqueue_indirect_dma source(%dma_start3A_6 : memref<100000x1024xf32, #tpu.memory_space<hbm>>) target(%arg6 : memref<64x1024xf32, #tpu.memory_space<vmem>>) offsets(%arg5 : memref<64xi32, #tpu.memory_space<vmem>>) semaphore(%arg7 : memref<!tpu.dma_semaphore, #tpu.memory_space<semaphore_mem>>)
    %dma_wait3A = arith.constant 0 : i32
    %dma_wait3A_7 = arith.constant 0 : i32
    %dma_wait3A_8 = tpu.memref_slice %arg2[%dma_wait3A, %dma_wait3A_7] : memref<100000x1024xf32, #tpu.memory_space<hbm>> -> memref<100000x1024xf32, #tpu.memory_space<hbm>>
    tpu.wait_indirect_dma semaphore(%arg7 : memref<!tpu.dma_semaphore, #tpu.memory_space<semaphore_mem>>) src(%dma_wait3A_8 : memref<100000x1024xf32, #tpu.memory_space<hbm>>) dst(%arg6 : memref<64x1024xf32, #tpu.memory_space<vmem>>)
    "tpu.region"() ({
      %run_scoped3A = tpu.sem_alloc : memref<!tpu.dma_semaphore, #tpu.memory_space<semaphore_mem>>
      %dma_start3A_33 = arith.constant 0 : i32
      %dma_start3A_34 = tpu.memref_slice %arg4[%add3A_4, %dma_start3A_33] : memref<8192x1024xf32, #tpu.memory_space<hbm>> -> memref<64x1024xf32, #tpu.memory_space<hbm>>
      %dma_start3A_35 = arith.constant 0 : i32
      %dma_start3A_36 = tpu.memref_slice %arg4[%add3A_4, %dma_start3A_35] : memref<8192x1024xf32, #tpu.memory_space<hbm>> -> memref<64x1024xf32, #tpu.memory_space<hbm>>
      tpu.enqueue_dma source(%arg6 : memref<64x1024xf32, #tpu.memory_space<vmem>>) target(%dma_start3A_36 : memref<64x1024xf32, #tpu.memory_space<hbm>>) target_semaphore(%run_scoped3A : memref<!tpu.dma_semaphore, #tpu.memory_space<semaphore_mem>>)
      %dma_wait3A_37 = arith.constant 0 : i32
      %dma_wait3A_38 = tpu.memref_slice %arg4[%add3A_4, %dma_wait3A_37] : memref<8192x1024xf32, #tpu.memory_space<hbm>> -> memref<64x1024xf32, #tpu.memory_space<hbm>>
      %dma_wait3A_39 = arith.constant 0 : i32
      %dma_wait3A_40 = tpu.memref_slice %arg4[%add3A_4, %dma_wait3A_39] : memref<8192x1024xf32, #tpu.memory_space<hbm>> -> memref<64x1024xf32, #tpu.memory_space<hbm>>
      tpu.wait_dma2 semaphore(%run_scoped3A : memref<!tpu.dma_semaphore, #tpu.memory_space<semaphore_mem>>) src(%arg6 : memref<64x1024xf32, #tpu.memory_space<vmem>>) dst(%dma_wait3A_40 : memref<64x1024xf32, #tpu.memory_space<hbm>>)
      tpu.yield
    }) : () -> ()
    %add3A_9 = arith.constant 64 : i32
    %add3A_10 = arith.addi %mul3A_2, %add3A_9 : i32
    "tpu.region"() ({
      %run_scoped3A = tpu.sem_alloc : memref<!tpu.dma_semaphore, #tpu.memory_space<semaphore_mem>>
      %dma_start3A_33 = tpu.memref_slice %arg3[%add3A_10] : memref<8192xi32, #tpu.memory_space<hbm>> -> memref<64xi32, #tpu.memory_space<hbm>>
      %dma_start3A_34 = tpu.memref_slice %arg3[%add3A_10] : memref<8192xi32, #tpu.memory_space<hbm>> -> memref<64xi32, #tpu.memory_space<hbm>>
      tpu.enqueue_dma source(%dma_start3A_34 : memref<64xi32, #tpu.memory_space<hbm>>) target(%arg5 : memref<64xi32, #tpu.memory_space<vmem>>) target_semaphore(%run_scoped3A : memref<!tpu.dma_semaphore, #tpu.memory_space<semaphore_mem>>)
      %dma_wait3A_35 = tpu.memref_slice %arg3[%add3A_10] : memref<8192xi32, #tpu.memory_space<hbm>> -> memref<64xi32, #tpu.memory_space<hbm>>
      %dma_wait3A_36 = tpu.memref_slice %arg3[%add3A_10] : memref<8192xi32, #tpu.memory_space<hbm>> -> memref<64xi32, #tpu.memory_space<hbm>>
      tpu.wait_dma2 semaphore(%run_scoped3A : memref<!tpu.dma_semaphore, #tpu.memory_space<semaphore_mem>>) src(%dma_wait3A_36 : memref<64xi32, #tpu.memory_space<hbm>>) dst(%arg5 : memref<64xi32, #tpu.memory_space<vmem>>)
      tpu.yield
    }) : () -> ()
    %dma_start3A_11 = arith.constant 0 : i32
    %dma_start3A_12 = arith.constant 0 : i32
    %dma_start3A_13 = tpu.memref_slice %arg2[%dma_start3A_11, %dma_start3A_12] : memref<100000x1024xf32, #tpu.memory_space<hbm>> -> memref<100000x1024xf32, #tpu.memory_space<hbm>>
    tpu.enqueue_indirect_dma source(%dma_start3A_13 : memref<100000x1024xf32, #tpu.memory_space<hbm>>) target(%arg6 : memref<64x1024xf32, #tpu.memory_space<vmem>>) offsets(%arg5 : memref<64xi32, #tpu.memory_space<vmem>>) semaphore(%arg7 : memref<!tpu.dma_semaphore, #tpu.memory_space<semaphore_mem>>)
    %dma_wait3A_14 = arith.constant 0 : i32
    %dma_wait3A_15 = arith.constant 0 : i32
    %dma_wait3A_16 = tpu.memref_slice %arg2[%dma_wait3A_14, %dma_wait3A_15] : memref<100000x1024xf32, #tpu.memory_space<hbm>> -> memref<100000x1024xf32, #tpu.memory_space<hbm>>
    tpu.wait_indirect_dma semaphore(%arg7 : memref<!tpu.dma_semaphore, #tpu.memory_space<semaphore_mem>>) src(%dma_wait3A_16 : memref<100000x1024xf32, #tpu.memory_space<hbm>>) dst(%arg6 : memref<64x1024xf32, #tpu.memory_space<vmem>>)
    "tpu.region"() ({
      %run_scoped3A = tpu.sem_alloc : memref<!tpu.dma_semaphore, #tpu.memory_space<semaphore_mem>>
      %dma_start3A_33 = arith.constant 0 : i32
      %dma_start3A_34 = tpu.memref_slice %arg4[%add3A_10, %dma_start3A_33] : memref<8192x1024xf32, #tpu.memory_space<hbm>> -> memref<64x1024xf32, #tpu.memory_space<hbm>>
      %dma_start3A_35 = arith.constant 0 : i32
      %dma_start3A_36 = tpu.memref_slice %arg4[%add3A_10, %dma_start3A_35] : memref<8192x1024xf32, #tpu.memory_space<hbm>> -> memref<64x1024xf32, #tpu.memory_space<hbm>>
      tpu.enqueue_dma source(%arg6 : memref<64x1024xf32, #tpu.memory_space<vmem>>) target(%dma_start3A_36 : memref<64x1024xf32, #tpu.memory_space<hbm>>) target_semaphore(%run_scoped3A : memref<!tpu.dma_semaphore, #tpu.memory_space<semaphore_mem>>)
      %dma_wait3A_37 = arith.constant 0 : i32
      %dma_wait3A_38 = tpu.memref_slice %arg4[%add3A_10, %dma_wait3A_37] : memref<8192x1024xf32, #tpu.memory_space<hbm>> -> memref<64x1024xf32, #tpu.memory_space<hbm>>
      %dma_wait3A_39 = arith.constant 0 : i32
      %dma_wait3A_40 = tpu.memref_slice %arg4[%add3A_10, %dma_wait3A_39] : memref<8192x1024xf32, #tpu.memory_space<hbm>> -> memref<64x1024xf32, #tpu.memory_space<hbm>>
      tpu.wait_dma2 semaphore(%run_scoped3A : memref<!tpu.dma_semaphore, #tpu.memory_space<semaphore_mem>>) src(%arg6 : memref<64x1024xf32, #tpu.memory_space<vmem>>) dst(%dma_wait3A_40 : memref<64x1024xf32, #tpu.memory_space<hbm>>)
      tpu.yield
    }) : () -> ()
    %add3A_17 = arith.constant 128 : i32
    %add3A_18 = arith.addi %mul3A_2, %add3A_17 : i32
    "tpu.region"() ({
      %run_scoped3A = tpu.sem_alloc : memref<!tpu.dma_semaphore, #tpu.memory_space<semaphore_mem>>
      %dma_start3A_33 = tpu.memref_slice %arg3[%add3A_18] : memref<8192xi32, #tpu.memory_space<hbm>> -> memref<64xi32, #tpu.memory_space<hbm>>
      %dma_start3A_34 = tpu.memref_slice %arg3[%add3A_18] : memref<8192xi32, #tpu.memory_space<hbm>> -> memref<64xi32, #tpu.memory_space<hbm>>
      tpu.enqueue_dma source(%dma_start3A_34 : memref<64xi32, #tpu.memory_space<hbm>>) target(%arg5 : memref<64xi32, #tpu.memory_space<vmem>>) target_semaphore(%run_scoped3A : memref<!tpu.dma_semaphore, #tpu.memory_space<semaphore_mem>>)
      %dma_wait3A_35 = tpu.memref_slice %arg3[%add3A_18] : memref<8192xi32, #tpu.memory_space<hbm>> -> memref<64xi32, #tpu.memory_space<hbm>>
      %dma_wait3A_36 = tpu.memref_slice %arg3[%add3A_18] : memref<8192xi32, #tpu.memory_space<hbm>> -> memref<64xi32, #tpu.memory_space<hbm>>
      tpu.wait_dma2 semaphore(%run_scoped3A : memref<!tpu.dma_semaphore, #tpu.memory_space<semaphore_mem>>) src(%dma_wait3A_36 : memref<64xi32, #tpu.memory_space<hbm>>) dst(%arg5 : memref<64xi32, #tpu.memory_space<vmem>>)
      tpu.yield
    }) : () -> ()
    %dma_start3A_19 = arith.constant 0 : i32
    %dma_start3A_20 = arith.constant 0 : i32
    %dma_start3A_21 = tpu.memref_slice %arg2[%dma_start3A_19, %dma_start3A_20] : memref<100000x1024xf32, #tpu.memory_space<hbm>> -> memref<100000x1024xf32, #tpu.memory_space<hbm>>
    tpu.enqueue_indirect_dma source(%dma_start3A_21 : memref<100000x1024xf32, #tpu.memory_space<hbm>>) target(%arg6 : memref<64x1024xf32, #tpu.memory_space<vmem>>) offsets(%arg5 : memref<64xi32, #tpu.memory_space<vmem>>) semaphore(%arg7 : memref<!tpu.dma_semaphore, #tpu.memory_space<semaphore_mem>>)
    %dma_wait3A_22 = arith.constant 0 : i32
    %dma_wait3A_23 = arith.constant 0 : i32
    %dma_wait3A_24 = tpu.memref_slice %arg2[%dma_wait3A_22, %dma_wait3A_23] : memref<100000x1024xf32, #tpu.memory_space<hbm>> -> memref<100000x1024xf32, #tpu.memory_space<hbm>>
    tpu.wait_indirect_dma semaphore(%arg7 : memref<!tpu.dma_semaphore, #tpu.memory_space<semaphore_mem>>) src(%dma_wait3A_24 : memref<100000x1024xf32, #tpu.memory_space<hbm>>) dst(%arg6 : memref<64x1024xf32, #tpu.memory_space<vmem>>)
    "tpu.region"() ({
      %run_scoped3A = tpu.sem_alloc : memref<!tpu.dma_semaphore, #tpu.memory_space<semaphore_mem>>
      %dma_start3A_33 = arith.constant 0 : i32
      %dma_start3A_34 = tpu.memref_slice %arg4[%add3A_18, %dma_start3A_33] : memref<8192x1024xf32, #tpu.memory_space<hbm>> -> memref<64x1024xf32, #tpu.memory_space<hbm>>
      %dma_start3A_35 = arith.constant 0 : i32
      %dma_start3A_36 = tpu.memref_slice %arg4[%add3A_18, %dma_start3A_35] : memref<8192x1024xf32, #tpu.memory_space<hbm>> -> memref<64x1024xf32, #tpu.memory_space<hbm>>
      tpu.enqueue_dma source(%arg6 : memref<64x1024xf32, #tpu.memory_space<vmem>>) target(%dma_start3A_36 : memref<64x1024xf32, #tpu.memory_space<hbm>>) target_semaphore(%run_scoped3A : memref<!tpu.dma_semaphore, #tpu.memory_space<semaphore_mem>>)
      %dma_wait3A_37 = arith.constant 0 : i32
      %dma_wait3A_38 = tpu.memref_slice %arg4[%add3A_18, %dma_wait3A_37] : memref<8192x1024xf32, #tpu.memory_space<hbm>> -> memref<64x1024xf32, #tpu.memory_space<hbm>>
      %dma_wait3A_39 = arith.constant 0 : i32
      %dma_wait3A_40 = tpu.memref_slice %arg4[%add3A_18, %dma_wait3A_39] : memref<8192x1024xf32, #tpu.memory_space<hbm>> -> memref<64x1024xf32, #tpu.memory_space<hbm>>
      tpu.wait_dma2 semaphore(%run_scoped3A : memref<!tpu.dma_semaphore, #tpu.memory_space<semaphore_mem>>) src(%arg6 : memref<64x1024xf32, #tpu.memory_space<vmem>>) dst(%dma_wait3A_40 : memref<64x1024xf32, #tpu.memory_space<hbm>>)
      tpu.yield
    }) : () -> ()
    %add3A_25 = arith.constant 192 : i32
    %add3A_26 = arith.addi %mul3A_2, %add3A_25 : i32
    "tpu.region"() ({
      %run_scoped3A = tpu.sem_alloc : memref<!tpu.dma_semaphore, #tpu.memory_space<semaphore_mem>>
      %dma_start3A_33 = tpu.memref_slice %arg3[%add3A_26] : memref<8192xi32, #tpu.memory_space<hbm>> -> memref<64xi32, #tpu.memory_space<hbm>>
      %dma_start3A_34 = tpu.memref_slice %arg3[%add3A_26] : memref<8192xi32, #tpu.memory_space<hbm>> -> memref<64xi32, #tpu.memory_space<hbm>>
      tpu.enqueue_dma source(%dma_start3A_34 : memref<64xi32, #tpu.memory_space<hbm>>) target(%arg5 : memref<64xi32, #tpu.memory_space<vmem>>) target_semaphore(%run_scoped3A : memref<!tpu.dma_semaphore, #tpu.memory_space<semaphore_mem>>)
      %dma_wait3A_35 = tpu.memref_slice %arg3[%add3A_26] : memref<8192xi32, #tpu.memory_space<hbm>> -> memref<64xi32, #tpu.memory_space<hbm>>
      %dma_wait3A_36 = tpu.memref_slice %arg3[%add3A_26] : memref<8192xi32, #tpu.memory_space<hbm>> -> memref<64xi32, #tpu.memory_space<hbm>>
      tpu.wait_dma2 semaphore(%run_scoped3A : memref<!tpu.dma_semaphore, #tpu.memory_space<semaphore_mem>>) src(%dma_wait3A_36 : memref<64xi32, #tpu.memory_space<hbm>>) dst(%arg5 : memref<64xi32, #tpu.memory_space<vmem>>)
      tpu.yield
    }) : () -> ()
    %dma_start3A_27 = arith.constant 0 : i32
    %dma_start3A_28 = arith.constant 0 : i32
    %dma_start3A_29 = tpu.memref_slice %arg2[%dma_start3A_27, %dma_start3A_28] : memref<100000x1024xf32, #tpu.memory_space<hbm>> -> memref<100000x1024xf32, #tpu.memory_space<hbm>>
    tpu.enqueue_indirect_dma source(%dma_start3A_29 : memref<100000x1024xf32, #tpu.memory_space<hbm>>) target(%arg6 : memref<64x1024xf32, #tpu.memory_space<vmem>>) offsets(%arg5 : memref<64xi32, #tpu.memory_space<vmem>>) semaphore(%arg7 : memref<!tpu.dma_semaphore, #tpu.memory_space<semaphore_mem>>)
    %dma_wait3A_30 = arith.constant 0 : i32
    %dma_wait3A_31 = arith.constant 0 : i32
    %dma_wait3A_32 = tpu.memref_slice %arg2[%dma_wait3A_30, %dma_wait3A_31] : memref<100000x1024xf32, #tpu.memory_space<hbm>> -> memref<100000x1024xf32, #tpu.memory_space<hbm>>
    tpu.wait_indirect_dma semaphore(%arg7 : memref<!tpu.dma_semaphore, #tpu.memory_space<semaphore_mem>>) src(%dma_wait3A_32 : memref<100000x1024xf32, #tpu.memory_space<hbm>>) dst(%arg6 : memref<64x1024xf32, #tpu.memory_space<vmem>>)
    "tpu.region"() ({
      %run_scoped3A = tpu.sem_alloc : memref<!tpu.dma_semaphore, #tpu.memory_space<semaphore_mem>>
      %dma_start3A_33 = arith.constant 0 : i32
      %dma_start3A_34 = tpu.memref_slice %arg4[%add3A_26, %dma_start3A_33] : memref<8192x1024xf32, #tpu.memory_space<hbm>> -> memref<64x1024xf32, #tpu.memory_space<hbm>>
      %dma_start3A_35 = arith.constant 0 : i32
      %dma_start3A_36 = tpu.memref_slice %arg4[%add3A_26, %dma_start3A_35] : memref<8192x1024xf32, #tpu.memory_space<hbm>> -> memref<64x1024xf32, #tpu.memory_space<hbm>>
      tpu.enqueue_dma source(%arg6 : memref<64x1024xf32, #tpu.memory_space<vmem>>) target(%dma_start3A_36 : memref<64x1024xf32, #tpu.memory_space<hbm>>) target_semaphore(%run_scoped3A : memref<!tpu.dma_semaphore, #tpu.memory_space<semaphore_mem>>)
      %dma_wait3A_37 = arith.constant 0 : i32
      %dma_wait3A_38 = tpu.memref_slice %arg4[%add3A_26, %dma_wait3A_37] : memref<8192x1024xf32, #tpu.memory_space<hbm>> -> memref<64x1024xf32, #tpu.memory_space<hbm>>
      %dma_wait3A_39 = arith.constant 0 : i32
      %dma_wait3A_40 = tpu.memref_slice %arg4[%add3A_26, %dma_wait3A_39] : memref<8192x1024xf32, #tpu.memory_space<hbm>> -> memref<64x1024xf32, #tpu.memory_space<hbm>>
      tpu.wait_dma2 semaphore(%run_scoped3A : memref<!tpu.dma_semaphore, #tpu.memory_space<semaphore_mem>>) src(%arg6 : memref<64x1024xf32, #tpu.memory_space<vmem>>) dst(%dma_wait3A_40 : memref<64x1024xf32, #tpu.memory_space<hbm>>)
      tpu.yield
    }) : () -> ()
    return
  }
}

module attributes {stable_mosaic.version = 14 : i64} {
  func.func @_tc_body(%arg0: i32, %arg1: memref<256x1024xf32, #tpu.memory_space<vmem>>, %arg2: memref<256x1024xf32, #tpu.memory_space<vmem>>, %arg3: memref<256x1xf32, #tpu.memory_space<vmem>>, %arg4: memref<2x1024xf32, #tpu.memory_space<vmem>>, %arg5: memref<1x1024xf32, #tpu.memory_space<vmem>>, %arg6: memref<1x1024xf32, #tpu.memory_space<vmem>>, %arg7: memref<4096x1024xbf16, #tpu.memory_space<vmem>>, %arg8: memref<1x4096xf32, #tpu.memory_space<vmem>>, %arg9: memref<256x4096xf32, #tpu.memory_space<vmem>>) attributes {dimension_semantics = [#tpu.dimension_semantics<arbitrary>], iteration_bounds = array<i64: 32>, scalar_prefetch = 0 : i64, scratch_operands = 0 : i64, tpu.core_type = #tpu.core_type<tc>, window_params = [{transform_indices = @transform_0, window_bounds = array<i64: 256, 1024>}, {transform_indices = @transform_1, window_bounds = array<i64: 256, 1024>}, {transform_indices = @transform_2, window_bounds = array<i64: 256, 1>}, {pipeline_mode = #tpu.pipeline_mode<synchronous>, transform_indices = @transform_3, window_bounds = array<i64: 2, 1024>}, {pipeline_mode = #tpu.pipeline_mode<synchronous>, transform_indices = @transform_4, window_bounds = array<i64: 1, 1024>}, {pipeline_mode = #tpu.pipeline_mode<synchronous>, transform_indices = @transform_5, window_bounds = array<i64: 1, 1024>}, {pipeline_mode = #tpu.pipeline_mode<synchronous>, transform_indices = @transform_6, window_bounds = array<i64: 4096, 1024>}, {pipeline_mode = #tpu.pipeline_mode<synchronous>, transform_indices = @transform_7, window_bounds = array<i64: 1, 4096>}, {transform_indices = @transform_8, window_bounds = array<i64: 256, 4096>}]} {
    %get3A = arith.constant 0 : index
    %get3A_0 = arith.constant 0 : index
    %get3A_1 = vector.load %arg1[%get3A, %get3A_0] : memref<256x1024xf32, #tpu.memory_space<vmem>>, vector<256x1024xf32>
    %get3A_2 = arith.constant 0 : index
    %get3A_3 = arith.constant 0 : index
    %get3A_4 = vector.load %arg4[%get3A_2, %get3A_3] : memref<2x1024xf32, #tpu.memory_space<vmem>>, vector<1x1024xf32>
    %get3A_5 = arith.constant 1 : index
    %get3A_6 = arith.constant 0 : index
    %get3A_7 = vector.load %arg4[%get3A_5, %get3A_6] : memref<2x1024xf32, #tpu.memory_space<vmem>>, vector<1x1024xf32>
    %get3A_8 = arith.constant 0 : index
    %get3A_9 = arith.constant 0 : index
    %get3A_10 = vector.load %arg2[%get3A_8, %get3A_9] : memref<256x1024xf32, #tpu.memory_space<vmem>>, vector<256x1024xf32>
    %add3A = arith.addf %get3A_1, %get3A_10 : vector<256x1024xf32>
    %add3A_11 = vector.broadcast %get3A_4 : vector<1x1024xf32> to vector<256x1024xf32>
    %add3A_12 = arith.addf %add3A, %add3A_11 : vector<256x1024xf32>
    %get3A_13 = arith.constant 0 : index
    %get3A_14 = arith.constant 0 : index
    %get3A_15 = vector.load %arg3[%get3A_13, %get3A_14] : memref<256x1xf32, #tpu.memory_space<vmem>>, vector<256x1xf32>
    %sub3A = arith.subf %get3A_7, %get3A_4 : vector<1x1024xf32>
    %mul3A = vector.broadcast %get3A_15 : vector<256x1xf32> to vector<256x1024xf32>
    %mul3A_16 = vector.broadcast %sub3A : vector<1x1024xf32> to vector<256x1024xf32>
    %mul3A_17 = arith.mulf %mul3A, %mul3A_16 : vector<256x1024xf32>
    %add3A_18 = arith.addf %add3A_12, %mul3A_17 : vector<256x1024xf32>
    %reduce_sum3A = arith.constant dense<0.000000e+00> : vector<256xf32>
    %reduce_sum3A_19 = vector.multi_reduction <add>, %add3A_18, %reduce_sum3A [1] : vector<256x1024xf32> to vector<256xf32>
    %broadcast_in_dim3A = vector.shape_cast %reduce_sum3A_19 : vector<256xf32> to vector<256x1xf32>
    %div3A = arith.constant 1.024000e+03 : f32
    %div3A_20 = vector.broadcast %div3A : f32 to vector<256x1xf32>
    %div3A_21 = arith.divf %broadcast_in_dim3A, %div3A_20 : vector<256x1xf32>
    %sub3A_22 = vector.broadcast %div3A_21 : vector<256x1xf32> to vector<256x1024xf32>
    %sub3A_23 = arith.subf %add3A_18, %sub3A_22 : vector<256x1024xf32>
    %mul3A_24 = arith.mulf %sub3A_23, %sub3A_23 : vector<256x1024xf32>
    %reduce_sum3A_25 = arith.constant dense<0.000000e+00> : vector<256xf32>
    %reduce_sum3A_26 = vector.multi_reduction <add>, %mul3A_24, %reduce_sum3A_25 [1] : vector<256x1024xf32> to vector<256xf32>
    %broadcast_in_dim3A_27 = vector.shape_cast %reduce_sum3A_26 : vector<256xf32> to vector<256x1xf32>
    %div3A_28 = arith.constant 1.024000e+03 : f32
    %div3A_29 = vector.broadcast %div3A_28 : f32 to vector<256x1xf32>
    %div3A_30 = arith.divf %broadcast_in_dim3A_27, %div3A_29 : vector<256x1xf32>
    %add3A_31 = arith.constant 9.99999996E-13 : f32
    %add3A_32 = vector.broadcast %add3A_31 : f32 to vector<256x1xf32>
    %add3A_33 = arith.addf %div3A_30, %add3A_32 : vector<256x1xf32>
    %rsqrt3A = math.rsqrt %add3A_33 : vector<256x1xf32>
    %mul3A_34 = vector.broadcast %rsqrt3A : vector<256x1xf32> to vector<256x1024xf32>
    %mul3A_35 = arith.mulf %sub3A_23, %mul3A_34 : vector<256x1024xf32>
    %get3A_36 = arith.constant 0 : index
    %get3A_37 = arith.constant 0 : index
    %get3A_38 = vector.load %arg5[%get3A_36, %get3A_37] : memref<1x1024xf32, #tpu.memory_space<vmem>>, vector<1x1024xf32>
    %mul3A_39 = vector.broadcast %get3A_38 : vector<1x1024xf32> to vector<256x1024xf32>
    %mul3A_40 = arith.mulf %mul3A_35, %mul3A_39 : vector<256x1024xf32>
    %get3A_41 = arith.constant 0 : index
    %get3A_42 = arith.constant 0 : index
    %get3A_43 = vector.load %arg6[%get3A_41, %get3A_42] : memref<1x1024xf32, #tpu.memory_space<vmem>>, vector<1x1024xf32>
    %add3A_44 = vector.broadcast %get3A_43 : vector<1x1024xf32> to vector<256x1024xf32>
    %add3A_45 = arith.addf %mul3A_40, %add3A_44 : vector<256x1024xf32>
    %convert_element_type3A = arith.truncf %add3A_45 : vector<256x1024xf32> to vector<256x1024xbf16>
    %get3A_46 = arith.constant 0 : index
    %get3A_47 = arith.constant 0 : index
    %get3A_48 = vector.load %arg7[%get3A_46, %get3A_47] : memref<4096x1024xbf16, #tpu.memory_space<vmem>>, vector<4096x1024xbf16>
    %dot_general3A = arith.constant dense<0.000000e+00> : vector<256x4096xf32>
    %dot_general3A_49 = tpu.matmul %convert_element_type3A, %get3A_48, %dot_general3A {dimension_numbers = #tpu.dot_dimension_numbers<[1], [1], [0], [0], [0, 0, 1, 0], [], []>, transpose_lhs_hint = false} : vector<256x1024xbf16>, vector<4096x1024xbf16>, vector<256x4096xf32> -> vector<256x4096xf32>
    %get3A_50 = arith.constant 0 : index
    %get3A_51 = arith.constant 0 : index
    %get3A_52 = vector.load %arg8[%get3A_50, %get3A_51] : memref<1x4096xf32, #tpu.memory_space<vmem>>, vector<1x4096xf32>
    %add3A_53 = vector.broadcast %get3A_52 : vector<1x4096xf32> to vector<256x4096xf32>
    %add3A_54 = arith.addf %dot_general3A_49, %add3A_53 : vector<256x4096xf32>
    %swap3A = arith.constant 0 : index
    %swap3A_55 = arith.constant 0 : index
    %swap3A_56 = vector.load %arg9[%swap3A, %swap3A_55] : memref<256x4096xf32, #tpu.memory_space<vmem>>, vector<256x4096xf32>
    tpu.vector_store %arg9[%swap3A, %swap3A_55], %add3A_54 {strides = array<i32>} : memref<256x4096xf32, #tpu.memory_space<vmem>>, vector<256x4096xf32>,
    return
  }
  func.func @transform_0(%arg0: i32) -> (i32, i32) {
    %c0_i32 = arith.constant 0 : i32
    %c0_i32_0 = arith.constant 0 : i32
    return %arg0, %c0_i32 : i32, i32
  }
  func.func @transform_1(%arg0: i32) -> (i32, i32) {
    %jit3A = arith.constant 8 : i32
    %eq3A = arith.constant 0 : i32
    %eq3A_0 = arith.cmpi eq, %jit3A, %eq3A : i32
    %jit3A_1 = arith.constant 1 : i32
    %select_n3A = arith.select %eq3A_0, %jit3A_1, %jit3A : i32
    %rem3A = arith.remsi %arg0, %select_n3A : i32
    %ne3A = arith.constant 0 : i32
    %ne3A_2 = arith.cmpi ne, %rem3A, %ne3A : i32
    %lt3A = arith.constant 0 : i32
    %lt3A_3 = arith.cmpi slt, %rem3A, %lt3A : i32
    %lt3A_4 = arith.constant 0 : i32
    %lt3A_5 = arith.cmpi slt, %select_n3A, %lt3A_4 : i32
    %ne3A_6 = arith.xori %lt3A_3, %lt3A_5 : i1
    %and3A = arith.andi %ne3A_6, %ne3A_2 : i1
    %add3A = arith.addi %rem3A, %select_n3A : i32
    %select_n3A_7 = arith.select %and3A, %add3A, %rem3A : i32
    %c0_i32 = arith.constant 0 : i32
    %c0_i32_8 = arith.constant 0 : i32
    return %select_n3A_7, %c0_i32 : i32, i32
  }
  func.func @transform_2(%arg0: i32) -> (i32, i32) {
    %c0_i32 = arith.constant 0 : i32
    %c0_i32_0 = arith.constant 0 : i32
    return %arg0, %c0_i32 : i32, i32
  }
  func.func @transform_3(%arg0: i32) -> (i32, i32) {
    %c0_i32 = arith.constant 0 : i32
    %c0_i32_0 = arith.constant 0 : i32
    %c0_i32_1 = arith.constant 0 : i32
    return %c0_i32, %c0_i32_0 : i32, i32
  }
  func.func @transform_4(%arg0: i32) -> (i32, i32) {
    %c0_i32 = arith.constant 0 : i32
    %c0_i32_0 = arith.constant 0 : i32
    %c0_i32_1 = arith.constant 0 : i32
    return %c0_i32, %c0_i32_0 : i32, i32
  }
  func.func @transform_5(%arg0: i32) -> (i32, i32) {
    %c0_i32 = arith.constant 0 : i32
    %c0_i32_0 = arith.constant 0 : i32
    %c0_i32_1 = arith.constant 0 : i32
    return %c0_i32, %c0_i32_0 : i32, i32
  }
  func.func @transform_6(%arg0: i32) -> (i32, i32) {
    %c0_i32 = arith.constant 0 : i32
    %c0_i32_0 = arith.constant 0 : i32
    %c0_i32_1 = arith.constant 0 : i32
    return %c0_i32, %c0_i32_0 : i32, i32
  }
  func.func @transform_7(%arg0: i32) -> (i32, i32) {
    %c0_i32 = arith.constant 0 : i32
    %c0_i32_0 = arith.constant 0 : i32
    %c0_i32_1 = arith.constant 0 : i32
    return %c0_i32, %c0_i32_0 : i32, i32
  }
  func.func @transform_8(%arg0: i32) -> (i32, i32) {
    %c0_i32 = arith.constant 0 : i32
    %c0_i32_0 = arith.constant 0 : i32
    return %arg0, %c0_i32 : i32, i32
  }
}

</mosaic_0001>

<sc_bundles>
// kernel: kernel.4.cloned.1.call-start
scs
__scs_entry_jumppad:
0x0: {  	(pc) =	sbr.rel $0x88, $3  }
0x1: {  	(tag) =	ssettag $0x0;
	lr =	simm.s32 $0x1  }
0x2: {  	[smem:$0x3F98] =	sst lr;
	_ =	strace $0xD0000000  }
0x3: {  	_ = 	snop  }
0x4: {  	_ = 	snop  }
0x5: {  	_ = 	snop  }
0x6: {  	_ = 	snop  }
0x7: {  	_ = 	snop  }
__scs_overlays_trampoline_lowered:
0x8: {  	[smem:$0x3FA7] =	sst s0  }
0x9: {  	[smem:$0x3FA8] =	sst s1  }
0xa: {  	[smem:$0x3FA9] =	sst s2  }
0xb: {  	[smem:$0x3FAA] =	sst s3  }
0xc: {  	[smem:$0x3FAB] =	sst s4  }
0xd: {  	[smem:$0x3FAC] =	sst s5  }
0xe: {  	[smem:$0x3FAD] =	sst s6  }
0xf: {  	[smem:$0x3FAE] =	sst s7  }
0x10: {  	[smem:$0x3FAF] =	sst s8  }
0x11: {  	[smem:$0x3FB0] =	sst s9;
	s0 =	simm.s32 @!p0 $0x0  }
0x12: {  	s1 =	sld [smem:$0x3F96];
	s0 =	simm.s32 @p0 $0x1  }
0x13: {  	[smem:$0x3FB1] =	sst s0;
	s0 =	simm.s32 @!p1 $0x0  }
0x14: {  	s2 =	sld [smem:$0x3F95];
	s0 =	simm.s32 @p1 $0x1  }
0x15: {  	[smem:$0x3FB2] =	sst s0;
	s0 =	simm.s32 @!p2 $0x0  }
0x16: {  	s3 =	sld [smem:$0x3FDB];
	s0 =	simm.s32 @p2 $0x1  }
0x17: {  	s4 =	simm.s32 $0x1BF5;
	[smem:$0x3FB4] =	sst s0  }
0x18: {  	s0 =	sld [smem:$0x3F97];
	_ =	swait.ge [sflag:s4], $0x0  }
0x19: {  	s7 =	sld [smem:$0x3F98]  }
0x1a: {  	s8 =	sadd.s32 $0xFFFFE003, lr  }
0x1b: {  	s9 =	sadd.s32 $0xFFFFFEF7, lr;
	s5 =	simm.s32 $0xFFFFFFFF;
	p2 =	slt.u32 s8, $0xFFFFF086  }
0x1c: {  	p1 =	slt.u32 s9, $0xF7A;
	s5 =	simm.s32 @!p2 $0x0  }
0x1d: {  	s5 =	simm.s32 @p1 $0x1;
	p0 =	seq.s32 s7, s2  }
0x1e: {  	s7 =	smul.u32 @!p0 $0xF7A, s2;
	p2 =	seq.s32 @!p0 s5, $0x0  }
0x1f: {  	s9 =	smul.u32 $0xF7A, s1;
	s8 =	simm.s32 @!p0 $0x1BF5;
	p2 =	por !p2, p0  }
0x20: {  	[sflag:s8] =	ssyncset.s32 @!p0 $0xFFFFF086;
	s6 =	sadd.s32 @!p0 s3, s7;
	s7 =	simm.s32 @!p0 $0x108  }
0x21: {  	s3 =	sadd.s32 s3, s9;
	s6 =	sadd.s32 @!p0 $0x88, s6;
	s7 =	simm.s32 @p2 $0x1082  }
0x22: {  	[simem:s7], [sflag:s8] =	dma.local @!p0 [hbm:s6], $0xF7A  }
0x23: {  	s9 =	sor.u32 $0xD0000000, s2;
	s6 =	simm.s32 $0x108;
	_ =	swait.ge @!p0 [sflag:s8], $0x0  }
0x24: {  	s3 =	sadd.s32 $0x88, s3;
	s6 =	simm.s32 @!p1 $0x1082;
	[sflag:s4] =	ssyncset.s32 $0xFFFFF086  }
0x25: {  	[simem:s6], [sflag:s4] =	dma.local [hbm:s3], $0xF7A  }
0x26: {  	[smem:$0x3F98] =	sst s1;
	(tag) =	ssettag s2;
	_ =	strace s9  }
0x27: {  	s1 =	sld [smem:$0x3FA8]  }
0x28: {  	s2 =	sld [smem:$0x3FA9]  }
0x29: {  	s4 =	sld [smem:$0x3FAB]  }
0x2a: {  	p0 =	seq.s32 s5, $0x0;
	s5 =	sld [smem:$0x3FAC]  }
0x2b: {  	s6 =	sld [smem:$0x3FAD]  }
0x2c: {  	s7 =	sld [smem:$0x3FAE]  }
0x2d: {  	s3 =	simm.s32 $0x108;
	s8 =	sld [smem:$0x3FAF]  }
0x2e: {  	s3 =	simm.s32 @!p0 $0x1082;
	s9 =	sld [smem:$0x3FB0]  }
0x2f: {  	lr =	sadd.s32 s0, s3;
	s0 =	sld [smem:$0x3FA7]  }
0x30: {  	s3 =	sld [smem:$0x3FAA]  }
0x31: {  	[smem:$0x3FB3] =	sst s10  }
0x32: {  	s10 =	sld [smem:$0x3FB1];
	_ =	sdelay $0x3  }
0x33: {  	p0 =	seq.s32 s10, $0x1;
	s10 =	sld [smem:$0x3FB3];
	_ =	sdelay $0x3  }
0x34: {  	[smem:$0x3FB3] =	sst s10  }
0x35: {  	s10 =	sld [smem:$0x3FB2];
	_ =	sdelay $0x3  }
0x36: {  	p1 =	seq.s32 s10, $0x1;
	s10 =	sld [smem:$0x3FB3];
	_ =	sdelay $0x3  }
0x37: {  	[smem:$0x3FB3] =	sst s10  }
0x38: {  	s10 =	sld [smem:$0x3FB4]  }
0x39: {  	_ = 	snop;
	(pc) =	sbr.ind lr, $3  }
0x3a: {  	_ = 	snop  }
0x3b: {  	_ = 	snop  }
0x3c: {  	p2 =	seq.s32 s10, $0x1;
	s10 =	sld [smem:$0x3FB3]  }
0x3d: {  	_ =	shalt  }
0x3e: {  	_ =	shalt  }
0x3f: {  	_ =	shalt  }
0x40: {  	_ =	shalt  }
0x41: {  	_ =	shalt  }
0x42: {  	_ =	shalt  }
0x43: {  	_ =	shalt  }
0x44: {  	_ =	shalt  }
0x45: {  	_ =	shalt  }
0x46: {  	_ =	shalt  }
0x47: {  	_ =	shalt  }
0x48: {  	_ =	shalt  }
0x49: {  	_ =	shalt  }
0x4a: {  	_ =	shalt  }
0x4b: {  	_ =	shalt  }
0x4c: {  	_ =	shalt  }
0x4d: {  	_ =	shalt  }
0x4e: {  	_ =	shalt  }
0x4f: {  	_ =	shalt  }
0x50: {  	_ =	shalt  }
0x51: {  	_ =	shalt  }
0x52: {  	_ =	shalt  }
0x53: {  	_ =	shalt  }
0x54: {  	_ =	shalt  }
0x55: {  	_ =	shalt  }
0x56: {  	_ =	shalt  }
0x57: {  	_ =	shalt  }
0x58: {  	_ =	shalt  }
0x59: {  	_ =	shalt  }
0x5a: {  	_ =	shalt  }
0x5b: {  	_ =	shalt  }
0x5c: {  	_ =	shalt  }
0x5d: {  	_ =	shalt  }
0x5e: {  	_ =	shalt  }
0x5f: {  	_ =	shalt  }
0x60: {  	_ =	shalt  }
0x61: {  	_ =	shalt  }
0x62: {  	_ =	shalt  }
0x63: {  	_ =	shalt  }
0x64: {  	_ =	shalt  }
0x65: {  	_ =	shalt  }
0x66: {  	_ =	shalt  }
0x67: {  	_ =	shalt  }
0x68: {  	_ =	shalt  }
0x69: {  	_ =	shalt  }
0x6a: {  	_ =	shalt  }
0x6b: {  	_ =	shalt  }
0x6c: {  	_ =	shalt  }
0x6d: {  	_ =	shalt  }
0x6e: {  	_ =	shalt  }
0x6f: {  	_ =	shalt  }
0x70: {  	_ =	shalt  }
0x71: {  	_ =	shalt  }
0x72: {  	_ =	shalt  }
0x73: {  	_ =	shalt  }
0x74: {  	_ =	shalt  }
0x75: {  	_ =	shalt  }
0x76: {  	_ =	shalt  }
0x77: {  	_ =	shalt  }
0x78: {  	_ =	shalt  }
0x79: {  	_ =	shalt  }
0x7a: {  	_ =	shalt  }
0x7b: {  	_ =	shalt  }
0x7c: {  	_ =	shalt  }
0x7d: {  	_ =	shalt  }
0x7e: {  	_ =	shalt  }
0x7f: {  	_ =	shalt  }
0x80: {  	_ =	shalt  }
0x81: {  	_ =	shalt  }
0x82: {  	_ =	shalt  }
0x83: {  	_ =	shalt  }
0x84: {  	_ =	shalt  }
0x85: {  	_ =	shalt  }
0x86: {  	_ =	shalt  }
0x87: {  	_ =	shalt  }
.Lfunc_end0:
.L_simem_size_0:
called_computation_lowered:
.L_overlay_start_0:
0x88: {  	s2 =	sld [smem:$0x3FD9]  }
0x89: {  	s3 =	sld [smem:$0x3FFE];
	_ =	sdelay $0x1  }
0x8a: {  	s1 =	srdreg.scid  }
0x8b: {  	s0 =	sand.u32 $0x1, s1  }
0x8c: {  	s17 =	sshll.u32 s0, $0xA;
	s2 =	sadd.s32 s3, s2  }
0x8d: {  	s2 =	sadd.s32 s2, s17  }
0x8e: {  	[smem:$0x3FBF] =	sst s2  }
0x8f: {  	_ = 	snop  }
0x90: {  	s2 =	sld [smem:$0x3FC7]  }
0x91: {  	s18 =	sld [smem:$0x3FD0];
	(tm) =	ssettm $0x1  }
0x92: {  	s4 =	sld [smem:$0x3FFB];
	_ =	sdelay $0x3  }
0x93: {  	_ =	strace s4  }
0x94: {  	s4 =	sld [smem:$0x3FFC];
	_ =	sdelay $0x3  }
0x95: {  	_ =	strace s4  }
0x96: {  	s4 =	sld [smem:$0x3FFD];
	_ =	sdelay $0x3  }
0x97: {  	_ =	strace s4  }
0x98: {  	_ =	strace $0x8FFFFFFF  }
0x99: {  	s19 =	sld [smem:$0x3FDB];
	_ =	sdelay $0x1  }
0x9a: {  	s5 =	simm.s32 $_scs_section_size  }
0x9b: {  	s6 =	simm.s32 $_size__tile_overlayer_lowered;
	s7 =	simm.s32 $_tile_overlayer_lowered  }
0x9c: {  	s22 =	simm.s32 $0x1BFF;
	s21 =	sshll.u32 s7, $0x1;
	s4 =	sadd.s32 s5, s19  }
0x9d: {  	s8 =	simm.s32 $0x0;
	s20 =	sshll.u32 s6, $0x1;
	s6 =	sadd.s32 s21, s4  }
0x9e: {  	[timem:s8], [sflag:s22] =	dma.local [hbm:s6], s20  }
0x9f: {  	_ =	swait.ge [sflag:s22], s20  }
0xa0: {  	s5 =	ssub.s32 $0x0, s20;
	[sflag:s22] =	ssyncset.done $0x0  }
0xa1: {  	[sflag:s22] =	ssyncadd.s32 s5;
	_ =	sdelay $0x1  }
0xa2: {  	s23 =	simm.s32 $0x1B8B  }
0xa3: {  	_ =	swait.ge [sflag:s23], $0x1  }
0xa4: {  	[sflag:s23] =	ssyncset.done $0x0  }
0xa5: {  	s25 =	simm.s32 $0x1B8E;
	s24 =	sld [smem:$0x3FFE];
	[sflag:s23] =	ssyncadd.s32 $0xFFFFFFFF  }
0xa6: {  	s26 =	simm.s32 $execute0_lowered;
	[smem:$0x3FD2] =	sst s25  }
0xa7: {  	s6 =	sshll.u32 s26, $0x1;
	_ =	strace $0x80000046;
	[dreg:$0x1] =	wrdreg $0xFFFFFFFF  }
0xa8: {  	s28 =	simm.s32 $_size_execute0_lowered;
	s4 =	sadd.s32 s4, s6;
	[dreg:$0x0] =	wrdreg $0x0  }
0xa9: {  	s6 =	sshll.u32 s28, $0x1;
	[dreg:$0x2] =	wrdreg s4  }
0xaa: {  	[dreg:$0x3] =	wrdreg s6  }
0xab: {  	[dreg:$0x4] =	wrdreg $0xC0  }
0xac: {  	_ =	task [dreg:s8], $0x5FFFF  }
0xad: {  	[dreg:$0x1] =	wrdreg $0xFFFFFFFF  }
0xae: {  	[dreg:$0x0] =	wrdreg $0x60  }
0xaf: {  	[dreg:$0x2] =	wrdreg s2  }
0xb0: {  	[dreg:$0x3] =	wrdreg s18  }
0xb1: {  	[dreg:$0x4] =	wrdreg s24  }
0xb2: {  	[dreg:$0x5] =	wrdreg $0x9  }
0xb3: {  	_ =	task.clear_ibuf [dreg:s8], $0x6FFFF;
	_ =	strace $0x90000046  }
0xb4: {  	s29 =	simm.s32 $0x9;
	_ =	strace $0x80000048  }
0xb5: {  	_ =	swait.ge [sflag:s29], $0x1  }
0xb6: {  	[sflag:s29] =	ssyncadd.s32 $0xFFFFFFFF  }
0xb7: {  	_ =	strace $0x90000048  }
0xb8: {  	_ =	sfence  }
0xb9: {  	s30 =	sld [smem:$0x0];
	_ =	sdelay $0x2  }
0xba: {  	s31 =	sshll.u32 s1, $0xD;
	s1 =	sshrl.u32 s1, $0x2  }
0xbb: {  	s3 =	sand.u32 $0x4000, s31;
	s1 =	sadd.s32 s1, s30  }
0xbc: {  	s0 =	sor.u32 s3, s0;
	s1 =	sshll.u32 s1, $0x11  }
0xbd: {  	s0 =	sor.u32 s1, s0  }
0xbe: {  	s0 =	sadd.s32 $0x8F2B, s0  }
0xbf: {  	[sflag:s0] =	ssyncadd.remote.s32 $0x1  }
0xc0: {  	_ =	sfence.sel $0xFFFF  }
0xc1: {  	[dreg:$0x0] =	wrdreg $0xFFFFFFFF;
	(pc) =	sbr.abs _section_cstart, $3  }
0xc2: {  	[dreg:$0x1] =	wrdreg $0xFFFFFFFF  }
0xc3: {  	_ =	task.clear_ibuf [dreg:s8], $0x2FFFF;
	_ =	strace $0x9FFFFFFF  }
0xc4: {  	(tm) =	ssettm $0x7FFFFFFF  }
0xc5: {  	_ =	shalt  }
tec
execute0_lowered:
.L_overlay_start_1:
0x0: {  	(tag) =	ssettag $0x1  }
0x1: {  	s1 =	rddreg [dreg:$0x0]  }
0x2: {  	s0 =	rddreg [dreg:$0x1]  }
0x3: {  	s2 =	rddreg [dreg:$0x2]  }
0x4: {  	s3 =	srdreg.scid;
	s5 =	stileid.u32  }
0x5: {  	s18 =	simm.s32 $0x1;
	s4 =	sand.u32 $0x1, s3;
	s3 =	simm.s32 $0x0  }
0x6: {  	s5 =	sshll.u32 s5, $0x9;
	s2 =	sadd.s32 $0x1000, s2;
	s6 =	sshll.u32 s4, $0x8  }
0x7: {  	[smem:$0x7FF] =	sst s3;
	s4 =	ssub.s32 $0x2, s4;
	s6 =	sor.u32 s6, s5  }
0x8: {  	_ =	strace $0x80000047;
	s20 =	sshrl.u32 s4, $0x1;
	s7 =	sshrl.u32 s6, $0x3  }
0x9: {  	s8 =	ssub.s32 s4, s20;
	s22 =	sshll.u32 s6, $0x7;
	s23 =	sor.u32 $0x40, s6  }
0xa: {  	s4 =	sadd.s32 $0x100, s1;
	s25 =	sor.u32 $0x80, s6;
	s6 =	sor.u32 $0xC0, s6  }
0xb: {  	s21 =	sadd.s32 s0, s7;
	s5 =	sadd.s32 s2, s22;
	s9 =	sshrl.u32 s23, $0x3  }
0xc: {  	s7 =	sshll.u32 s23, $0x7;
	s26 =	sshrl.u32 s25, $0x3;
	[dreg:$0x4] =	wrdreg s21  }
0xd: {  	s29 =	sshrl.u32 s6, $0x3;
	[dreg:$0x5] =	wrdreg s5;
	s24 =	sadd.s32 s0, s9  }
0xe: {  	s30 =	sshll.u32 s6, $0x7;
	s7 =	sadd.s32 s2, s7;
	[dreg:$0x6] =	wrdreg s24  }
0xf: {  	s6 =	sadd.s32 $0x300, s1;
	s31 =	sadd.s32 s2, s30;
	[dreg:$0x7] =	wrdreg s7  }
0x10: {  	s9 =	sshll.u32 s25, $0x7;
	s7 =	sadd.s32 s0, s26;
	[dreg:$0xb] =	wrdreg s31  }
0x11: {  	v2 =	vlaneseq.u32;
	s23 =	simm.s32 $0x80;
	s28 =	sadd.s32 s2, s9;
	[dreg:$0x8] =	wrdreg s7  }
0x12: {  	vm0 =	vmmov $0xffff;
	v1 =	vshrl.u32 v2, $0x3;
	s5 =	sadd.s32 $0x200, s1;
	s0 =	sadd.s32 s0, s29;
	[dreg:$0x9] =	wrdreg s28  }
0x13: {  	v0 =	vand.u32 $0x7, v2;
	v2 =	vor.u32 $0x8, v2;
	v1 =	vmul.u32 $0x8, v1;
	[dreg:$0xa] =	wrdreg s0;
	s7 =	smax.u32 s8, $0x1;
	s8 =	simm.s32 $0x2  }
.LBB2_1:
0x14: {  	s19 =	rddreg [dreg:$0x4]  }
0x15: {  	[tilespmem:s3], [sflag:$0x2] =	stream.linear.gather [hbm4b:s19+s3], $0x40, $0x38;
	[tilespmem:$0x10080] =	vst v63  }
0x16: {  	_ =	swait.ge [sflag:s8], $0x40  }
0x17: {  	[sflag:s8] =	ssyncset.done $0x0  }
0x18: {  	[sflag:s8] =	ssyncadd.s32 $0xFFFFFFC0  }
0x19: {  	v3 =	vld [tilespmem:$0x0];
	_ =	sdelay $0x4  }
0x1a: {  	v4 =	vshll.u32 v3, $0x3  }
0x1b: {  	v3 =	vand.u32 $0x7, v3;
	v4 =	vand.u32 $0xFFFFFFC0, v4  }
0x1c: {  	v3 =	vor.u32 v3, v4  }
0x1d: {  	v4 =	vperm.xlane v3, v0;
	_ =	sdelay $0x1  }
0x1e: {  	v4 =	vadd.s32 v1, v4;
	_ =	sdelay $0x4  }
0x1f: {  	[tilespmem:s23], [sflag:$0x1] =	stream.indirect_vreg.gather [hbm4b:s1+s3], $0x80, v4, vm0, $0xb8;
	[tilespmem:$0x10080] =	vst v63  }
0x20: {  	s0 =	simm.s32 $0x880;
	v3 =	vperm.xlane v3, v2  }
0x21: {  	[tilespmem:s0], [sflag:$0x1] =	stream.indirect_vreg.gather [hbm4b:s4+s3], $0x80, v4, vm0, $0xb8;
	[tilespmem:$0x10080] =	vst v63  }
0x22: {  	s12 =	simm.s32 $0x1080;
	v3 =	vadd.s32 v1, v3  }
0x23: {  	[tilespmem:s12], [sflag:$0x1] =	stream.indirect_vreg.gather [hbm4b:s5+s3], $0x80, v4, vm0, $0xb8;
	[tilespmem:$0x10080] =	vst v63  }
0x24: {  	s13 =	simm.s32 $0x1880  }
0x25: {  	[tilespmem:s13], [sflag:$0x1] =	stream.indirect_vreg.gather [hbm4b:s6+s3], $0x80, v4, vm0, $0xb8;
	[tilespmem:$0x10080] =	vst v63  }
0x26: {  	s15 =	simm.s32 $0x2080  }
0x27: {  	[tilespmem:s15], [sflag:$0x1] =	stream.indirect_vreg.gather [hbm4b:s1+s3], $0x80, v3, vm0, $0xb8;
	[tilespmem:$0x10080] =	vst v63  }
0x28: {  	s16 =	simm.s32 $0x2880  }
0x29: {  	[tilespmem:s16], [sflag:$0x1] =	stream.indirect_vreg.gather [hbm4b:s4+s3], $0x80, v3, vm0, $0xb8;
	[tilespmem:$0x10080] =	vst v63  }
0x2a: {  	s17 =	simm.s32 $0x3080  }
0x2b: {  	[tilespmem:s17], [sflag:$0x1] =	stream.indirect_vreg.gather [hbm4b:s5+s3], $0x80, v3, vm0, $0xb8;
	[tilespmem:$0x10080] =	vst v63  }
0x2c: {  	s19 =	simm.s32 $0x3880  }
0x2d: {  	[tilespmem:s19], [sflag:$0x1] =	stream.indirect_vreg.gather [hbm4b:s6+s3], $0x80, v3, vm0, $0xb8;
	[tilespmem:$0x10080] =	vst v63  }
0x2e: {  	v3 =	vld [tilespmem:$0x10];
	_ =	sdelay $0x4  }
0x2f: {  	v49 =	vshll.u32 v3, $0x3  }
0x30: {  	v3 =	vand.u32 $0x7, v3;
	v4 =	vand.u32 $0xFFFFFFC0, v49  }
0x31: {  	v3 =	vor.u32 v3, v4  }
0x32: {  	v4 =	vperm.xlane v3, v0;
	_ =	sdelay $0x1  }
0x33: {  	v4 =	vadd.s32 v1, v4;
	_ =	sdelay $0x3  }
0x34: {  	s20 =	simm.s32 $0x4080  }
0x35: {  	[tilespmem:s20], [sflag:$0x1] =	stream.indirect_vreg.gather [hbm4b:s1+s3], $0x80, v4, vm0, $0xb8;
	[tilespmem:$0x10080] =	vst v63  }
0x36: {  	s21 =	simm.s32 $0x4880;
	v3 =	vperm.xlane v3, v2  }
0x37: {  	[tilespmem:s21], [sflag:$0x1] =	stream.indirect_vreg.gather [hbm4b:s4+s3], $0x80, v4, vm0, $0xb8;
	[tilespmem:$0x10080] =	vst v63  }
0x38: {  	s22 =	simm.s32 $0x5080;
	v3 =	vadd.s32 v1, v3  }
0x39: {  	[tilespmem:s22], [sflag:$0x1] =	stream.indirect_vreg.gather [hbm4b:s5+s3], $0x80, v4, vm0, $0xb8;
	[tilespmem:$0x10080] =	vst v63  }
0x3a: {  	s24 =	simm.s32 $0x5880  }
0x3b: {  	[tilespmem:s24], [sflag:$0x1] =	stream.indirect_vreg.gather [hbm4b:s6+s3], $0x80, v4, vm0, $0xb8;
	[tilespmem:$0x10080] =	vst v63  }
0x3c: {  	s25 =	simm.s32 $0x6080  }
0x3d: {  	[tilespmem:s25], [sflag:$0x1] =	stream.indirect_vreg.gather [hbm4b:s1+s3], $0x80, v3, vm0, $0xb8;
	[tilespmem:$0x10080] =	vst v63  }
0x3e: {  	s26 =	simm.s32 $0x6880  }
0x3f: {  	[tilespmem:s26], [sflag:$0x1] =	stream.indirect_vreg.gather [hbm4b:s4+s3], $0x80, v3, vm0, $0xb8;
	[tilespmem:$0x10080] =	vst v63  }
0x40: {  	s28 =	simm.s32 $0x7080  }
0x41: {  	[tilespmem:s28], [sflag:$0x1] =	stream.indirect_vreg.gather [hbm4b:s5+s3], $0x80, v3, vm0, $0xb8;
	[tilespmem:$0x10080] =	vst v63  }
0x42: {  	s29 =	simm.s32 $0x7880  }
0x43: {  	[tilespmem:s29], [sflag:$0x1] =	stream.indirect_vreg.gather [hbm4b:s6+s3], $0x80, v3, vm0, $0xb8;
	[tilespmem:$0x10080] =	vst v63  }
0x44: {  	v3 =	vld [tilespmem:$0x20];
	_ =	sdelay $0x4  }
0x45: {  	v50 =	vshll.u32 v3, $0x3  }
0x46: {  	v3 =	vand.u32 $0x7, v3;
	v4 =	vand.u32 $0xFFFFFFC0, v50  }
0x47: {  	v3 =	vor.u32 v3, v4  }
0x48: {  	v4 =	vperm.xlane v3, v0;
	_ =	sdelay $0x1  }
0x49: {  	v4 =	vadd.s32 v1, v4;
	_ =	sdelay $0x3  }
0x4a: {  	s30 =	simm.s32 $0x8080  }
0x4b: {  	[tilespmem:s30], [sflag:$0x1] =	stream.indirect_vreg.gather [hbm4b:s1+s3], $0x80, v4, vm0, $0xb8;
	[tilespmem:$0x10080] =	vst v63  }
0x4c: {  	s16 =	simm.s32 $0x8880;
	v3 =	vperm.xlane v3, v2  }
0x4d: {  	[tilespmem:s16], [sflag:$0x1] =	stream.indirect_vreg.gather [hbm4b:s4+s3], $0x80, v4, vm0, $0xb8;
	[tilespmem:$0x10080] =	vst v63  }
0x4e: {  	s17 =	simm.s32 $0x9080;
	v3 =	vadd.s32 v1, v3  }
0x4f: {  	[tilespmem:s17], [sflag:$0x1] =	stream.indirect_vreg.gather [hbm4b:s5+s3], $0x80, v4, vm0, $0xb8;
	[tilespmem:$0x10080] =	vst v63  }
0x50: {  	s19 =	simm.s32 $0x9880  }
0x51: {  	[tilespmem:s19], [sflag:$0x1] =	stream.indirect_vreg.gather [hbm4b:s6+s3], $0x80, v4, vm0, $0xb8;
	[tilespmem:$0x10080] =	vst v63  }
0x52: {  	s20 =	simm.s32 $0xA080  }
0x53: {  	[tilespmem:s20], [sflag:$0x1] =	stream.indirect_vreg.gather [hbm4b:s1+s3], $0x80, v3, vm0, $0xb8;
	[tilespmem:$0x10080] =	vst v63  }
0x54: {  	s21 =	simm.s32 $0xA880  }
0x55: {  	[tilespmem:s21], [sflag:$0x1] =	stream.indirect_vreg.gather [hbm4b:s4+s3], $0x80, v3, vm0, $0xb8;
	[tilespmem:$0x10080] =	vst v63  }
0x56: {  	s22 =	simm.s32 $0xB080  }
0x57: {  	[tilespmem:s22], [sflag:$0x1] =	stream.indirect_vreg.gather [hbm4b:s5+s3], $0x80, v3, vm0, $0xb8;
	[tilespmem:$0x10080] =	vst v63  }
0x58: {  	s24 =	simm.s32 $0xB880  }
0x59: {  	[tilespmem:s24], [sflag:$0x1] =	stream.indirect_vreg.gather [hbm4b:s6+s3], $0x80, v3, vm0, $0xb8;
	[tilespmem:$0x10080] =	vst v63  }
0x5a: {  	v3 =	vld [tilespmem:$0x30];
	_ =	sdelay $0x4  }
0x5b: {  	v51 =	vshll.u32 v3, $0x3  }
0x5c: {  	v3 =	vand.u32 $0x7, v3;
	v4 =	vand.u32 $0xFFFFFFC0, v51  }
0x5d: {  	v3 =	vor.u32 v3, v4  }
0x5e: {  	v4 =	vperm.xlane v3, v0;
	_ =	sdelay $0x1  }
0x5f: {  	v4 =	vadd.s32 v1, v4;
	_ =	sdelay $0x3  }
0x60: {  	s25 =	simm.s32 $0xC080  }
0x61: {  	[tilespmem:s25], [sflag:$0x1] =	stream.indirect_vreg.gather [hbm4b:s1+s3], $0x80, v4, vm0, $0xb8;
	[tilespmem:$0x10080] =	vst v63  }
0x62: {  	s26 =	simm.s32 $0xC880;
	v3 =	vperm.xlane v3, v2  }
0x63: {  	[tilespmem:s26], [sflag:$0x1] =	stream.indirect_vreg.gather [hbm4b:s4+s3], $0x80, v4, vm0, $0xb8;
	[tilespmem:$0x10080] =	vst v63  }
0x64: {  	s29 =	simm.s32 $0xD080;
	v3 =	vadd.s32 v1, v3  }
0x65: {  	[tilespmem:s29], [sflag:$0x1] =	stream.indirect_vreg.gather [hbm4b:s5+s3], $0x80, v4, vm0, $0xb8;
	[tilespmem:$0x10080] =	vst v63  }
0x66: {  	s0 =	simm.s32 $0xD880  }
0x67: {  	[tilespmem:s0], [sflag:$0x1] =	stream.indirect_vreg.gather [hbm4b:s6+s3], $0x80, v4, vm0, $0xb8;
	[tilespmem:$0x10080] =	vst v63  }
0x68: {  	s16 =	simm.s32 $0xE080  }
0x69: {  	[tilespmem:s16], [sflag:$0x1] =	stream.indirect_vreg.gather [hbm4b:s1+s3], $0x80, v3, vm0, $0xb8;
	[tilespmem:$0x10080] =	vst v63  }
0x6a: {  	s17 =	simm.s32 $0xE880  }
0x6b: {  	[tilespmem:s17], [sflag:$0x1] =	stream.indirect_vreg.gather [hbm4b:s4+s3], $0x80, v3, vm0, $0xb8;
	[tilespmem:$0x10080] =	vst v63  }
0x6c: {  	s24 =	simm.s32 $0xF080  }
0x6d: {  	[tilespmem:s24], [sflag:$0x1] =	stream.indirect_vreg.gather [hbm4b:s5+s3], $0x80, v3, vm0, $0xb8;
	[tilespmem:$0x10080] =	vst v63  }
0x6e: {  	s25 =	simm.s32 $0xF880  }
0x6f: {  	[tilespmem:s25], [sflag:$0x1] =	stream.indirect_vreg.gather [hbm4b:s6+s3], $0x80, v3, vm0, $0xb8;
	[tilespmem:$0x10080] =	vst v63  }
0x70: {  	_ =	swait.ge [sflag:s18], $0x10000  }
0x71: {  	[sflag:s18] =	ssyncset.done $0x0  }
0x72: {  	s0 =	rddreg [dreg:$0x5];
	[sflag:s18] =	ssyncadd.s32 $0xFFFF0000  }
0x73: {  	[hbm4b:s0+s3] =	stream.linear.scatter [tilespmem:s23], [sflag:$0x2], $0x10000, $0x38;
	[tilespmem:$0x10080] =	vst v63  }
0x74: {  	_ =	swait.ge [sflag:s8], $0x10000  }
0x75: {  	[sflag:s8] =	ssyncset.done $0x0  }
0x76: {  	s16 =	rddreg [dreg:$0x6];
	[sflag:s8] =	ssyncadd.s32 $0xFFFF0000  }
0x77: {  	[tilespmem:s3], [sflag:$0x2] =	stream.linear.gather [hbm4b:s16+s3], $0x40, $0x38;
	[tilespmem:$0x10080] =	vst v63  }
0x78: {  	_ =	swait.ge [sflag:s8], $0x40  }
0x79: {  	[sflag:s8] =	ssyncset.done $0x0  }
0x7a: {  	[sflag:s8] =	ssyncadd.s32 $0xFFFFFFC0  }
0x7b: {  	v3 =	vld [tilespmem:$0x0];
	_ =	sdelay $0x4  }
0x7c: {  	v52 =	vshll.u32 v3, $0x3  }
0x7d: {  	v3 =	vand.u32 $0x7, v3;
	v4 =	vand.u32 $0xFFFFFFC0, v52  }
0x7e: {  	v3 =	vor.u32 v3, v4  }
0x7f: {  	v4 =	vperm.xlane v3, v0;
	_ =	sdelay $0x1  }
0x80: {  	v4 =	vadd.s32 v1, v4;
	_ =	sdelay $0x4  }
0x81: {  	[tilespmem:s23], [sflag:$0x1] =	stream.indirect_vreg.gather [hbm4b:s1+s3], $0x80, v4, vm0, $0xb8;
	[tilespmem:$0x10080] =	vst v63  }
0x82: {  	s14 =	simm.s32 $0x880;
	v3 =	vperm.xlane v3, v2  }
0x83: {  	[tilespmem:s14], [sflag:$0x1] =	stream.indirect_vreg.gather [hbm4b:s4+s3], $0x80, v4, vm0, $0xb8;
	[tilespmem:$0x10080] =	vst v63  }
0x84: {  	s2 =	simm.s32 $0x1080;
	v3 =	vadd.s32 v1, v3  }
0x85: {  	[tilespmem:s2], [sflag:$0x1] =	stream.indirect_vreg.gather [hbm4b:s5+s3], $0x80, v4, vm0, $0xb8;
	[tilespmem:$0x10080] =	vst v63  }
0x86: {  	s9 =	simm.s32 $0x1880  }
0x87: {  	[tilespmem:s9], [sflag:$0x1] =	stream.indirect_vreg.gather [hbm4b:s6+s3], $0x80, v4, vm0, $0xb8;
	[tilespmem:$0x10080] =	vst v63  }
0x88: {  	s10 =	simm.s32 $0x2080  }
0x89: {  	[tilespmem:s10], [sflag:$0x1] =	stream.indirect_vreg.gather [hbm4b:s1+s3], $0x80, v3, vm0, $0xb8;
	[tilespmem:$0x10080] =	vst v63  }
0x8a: {  	s11 =	simm.s32 $0x2880  }
0x8b: {  	[tilespmem:s11], [sflag:$0x1] =	stream.indirect_vreg.gather [hbm4b:s4+s3], $0x80, v3, vm0, $0xb8;
	[tilespmem:$0x10080] =	vst v63  }
0x8c: {  	s12 =	simm.s32 $0x3080  }
0x8d: {  	[tilespmem:s12], [sflag:$0x1] =	stream.indirect_vreg.gather [hbm4b:s5+s3], $0x80, v3, vm0, $0xb8;
	[tilespmem:$0x10080] =	vst v63  }
0x8e: {  	s15 =	simm.s32 $0x3880  }
0x8f: {  	[tilespmem:s15], [sflag:$0x1] =	stream.indirect_vreg.gather [hbm4b:s6+s3], $0x80, v3, vm0, $0xb8;
	[tilespmem:$0x10080] =	vst v63  }
0x90: {  	v3 =	vld [tilespmem:$0x10];
	_ =	sdelay $0x4  }
0x91: {  	v53 =	vshll.u32 v3, $0x3  }
0x92: {  	v3 =	vand.u32 $0x7, v3;
	v4 =	vand.u32 $0xFFFFFFC0, v53  }
0x93: {  	v3 =	vor.u32 v3, v4  }
0x94: {  	v4 =	vperm.xlane v3, v0;
	_ =	sdelay $0x1  }
0x95: {  	v4 =	vadd.s32 v1, v4;
	_ =	sdelay $0x3  }
0x96: {  	s16 =	simm.s32 $0x4080  }
0x97: {  	[tilespmem:s16], [sflag:$0x1] =	stream.indirect_vreg.gather [hbm4b:s1+s3], $0x80, v4, vm0, $0xb8;
	[tilespmem:$0x10080] =	vst v63  }
0x98: {  	s31 =	simm.s32 $0x4880;
	v3 =	vperm.xlane v3, v2  }
0x99: {  	[tilespmem:s31], [sflag:$0x1] =	stream.indirect_vreg.gather [hbm4b:s4+s3], $0x80, v4, vm0, $0xb8;
	[tilespmem:$0x10080] =	vst v63  }
0x9a: {  	s13 =	simm.s32 $0x5080;
	v3 =	vadd.s32 v1, v3  }
0x9b: {  	[tilespmem:s13], [sflag:$0x1] =	stream.indirect_vreg.gather [hbm4b:s5+s3], $0x80, v4, vm0, $0xb8;
	[tilespmem:$0x10080] =	vst v63  }
0x9c: {  	s31 =	simm.s32 $0x5880  }
0x9d: {  	[tilespmem:s31], [sflag:$0x1] =	stream.indirect_vreg.gather [hbm4b:s6+s3], $0x80, v4, vm0, $0xb8;
	[tilespmem:$0x10080] =	vst v63  }
0x9e: {  	s0 =	simm.s32 $0x6080  }
0x9f: {  	[tilespmem:s0], [sflag:$0x1] =	stream.indirect_vreg.gather [hbm4b:s1+s3], $0x80, v3, vm0, $0xb8;
	[tilespmem:$0x10080] =	vst v63  }
0xa0: {  	s2 =	simm.s32 $0x6880  }
0xa1: {  	[tilespmem:s2], [sflag:$0x1] =	stream.indirect_vreg.gather [hbm4b:s4+s3], $0x80, v3, vm0, $0xb8;
	[tilespmem:$0x10080] =	vst v63  }
0xa2: {  	s9 =	simm.s32 $0x7080  }
0xa3: {  	[tilespmem:s9], [sflag:$0x1] =	stream.indirect_vreg.gather [hbm4b:s5+s3], $0x80, v3, vm0, $0xb8;
	[tilespmem:$0x10080] =	vst v63  }
0xa4: {  	s13 =	simm.s32 $0x7880  }
0xa5: {  	[tilespmem:s13], [sflag:$0x1] =	stream.indirect_vreg.gather [hbm4b:s6+s3], $0x80, v3, vm0, $0xb8;
	[tilespmem:$0x10080] =	vst v63  }
0xa6: {  	v3 =	vld [tilespmem:$0x20];
	_ =	sdelay $0x4  }
0xa7: {  	v54 =	vshll.u32 v3, $0x3  }
0xa8: {  	v3 =	vand.u32 $0x7, v3;
	v4 =	vand.u32 $0xFFFFFFC0, v54  }
0xa9: {  	v3 =	vor.u32 v3, v4  }
0xaa: {  	v4 =	vperm.xlane v3, v0;
	_ =	sdelay $0x1  }
0xab: {  	v4 =	vadd.s32 v1, v4;
	_ =	sdelay $0x3  }
0xac: {  	s14 =	simm.s32 $0x8080  }
0xad: {  	[tilespmem:s14], [sflag:$0x1] =	stream.indirect_vreg.gather [hbm4b:s1+s3], $0x80, v4, vm0, $0xb8;
	[tilespmem:$0x10080] =	vst v63  }
0xae: {  	s15 =	simm.s32 $0x8880;
	v3 =	vperm.xlane v3, v2  }
0xaf: {  	[tilespmem:s15], [sflag:$0x1] =	stream.indirect_vreg.gather [hbm4b:s4+s3], $0x80, v4, vm0, $0xb8;
	[tilespmem:$0x10080] =	vst v63  }
0xb0: {  	s10 =	simm.s32 $0x9080;
	v3 =	vadd.s32 v1, v3  }
0xb1: {  	[tilespmem:s10], [sflag:$0x1] =	stream.indirect_vreg.gather [hbm4b:s5+s3], $0x80, v4, vm0, $0xb8;
	[tilespmem:$0x10080] =	vst v63  }
0xb2: {  	s11 =	simm.s32 $0x9880  }
0xb3: {  	[tilespmem:s11], [sflag:$0x1] =	stream.indirect_vreg.gather [hbm4b:s6+s3], $0x80, v4, vm0, $0xb8;
	[tilespmem:$0x10080] =	vst v63  }
0xb4: {  	s12 =	simm.s32 $0xA080  }
0xb5: {  	[tilespmem:s12], [sflag:$0x1] =	stream.indirect_vreg.gather [hbm4b:s1+s3], $0x80, v3, vm0, $0xb8;
	[tilespmem:$0x10080] =	vst v63  }
0xb6: {  	s30 =	simm.s32 $0xA880  }
0xb7: {  	[tilespmem:s30], [sflag:$0x1] =	stream.indirect_vreg.gather [hbm4b:s4+s3], $0x80, v3, vm0, $0xb8;
	[tilespmem:$0x10080] =	vst v63  }
0xb8: {  	s28 =	simm.s32 $0xB080  }
0xb9: {  	[tilespmem:s28], [sflag:$0x1] =	stream.indirect_vreg.gather [hbm4b:s5+s3], $0x80, v3, vm0, $0xb8;
	[tilespmem:$0x10080] =	vst v63  }
0xba: {  	s20 =	simm.s32 $0xB880  }
0xbb: {  	[tilespmem:s20], [sflag:$0x1] =	stream.indirect_vreg.gather [hbm4b:s6+s3], $0x80, v3, vm0, $0xb8;
	[tilespmem:$0x10080] =	vst v63  }
0xbc: {  	v3 =	vld [tilespmem:$0x30];
	_ =	sdelay $0x4  }
0xbd: {  	v55 =	vshll.u32 v3, $0x3  }
0xbe: {  	v3 =	vand.u32 $0x7, v3;
	v4 =	vand.u32 $0xFFFFFFC0, v55  }
0xbf: {  	v3 =	vor.u32 v3, v4  }
0xc0: {  	v4 =	vperm.xlane v3, v0;
	_ =	sdelay $0x1  }
0xc1: {  	v4 =	vadd.s32 v1, v4;
	_ =	sdelay $0x3  }
0xc2: {  	s21 =	simm.s32 $0xC080  }
0xc3: {  	[tilespmem:s21], [sflag:$0x1] =	stream.indirect_vreg.gather [hbm4b:s1+s3], $0x80, v4, vm0, $0xb8;
	[tilespmem:$0x10080] =	vst v63  }
0xc4: {  	s22 =	simm.s32 $0xC880;
	v3 =	vperm.xlane v3, v2  }
0xc5: {  	[tilespmem:s22], [sflag:$0x1] =	stream.indirect_vreg.gather [hbm4b:s4+s3], $0x80, v4, vm0, $0xb8;
	[tilespmem:$0x10080] =	vst v63  }
0xc6: {  	v3 =	vadd.s32 v1, v3;
	s22 =	simm.s32 $0xD080  }
0xc7: {  	[tilespmem:s22], [sflag:$0x1] =	stream.indirect_vreg.gather [hbm4b:s5+s3], $0x80, v4, vm0, $0xb8;
	[tilespmem:$0x10080] =	vst v63  }
0xc8: {  	s26 =	simm.s32 $0xD880  }
0xc9: {  	[tilespmem:s26], [sflag:$0x1] =	stream.indirect_vreg.gather [hbm4b:s6+s3], $0x80, v4, vm0, $0xb8;
	[tilespmem:$0x10080] =	vst v63  }
0xca: {  	s29 =	simm.s32 $0xE080  }
0xcb: {  	[tilespmem:s29], [sflag:$0x1] =	stream.indirect_vreg.gather [hbm4b:s1+s3], $0x80, v3, vm0, $0xb8;
	[tilespmem:$0x10080] =	vst v63  }
0xcc: {  	s26 =	simm.s32 $0xE880  }
0xcd: {  	[tilespmem:s26], [sflag:$0x1] =	stream.indirect_vreg.gather [hbm4b:s4+s3], $0x80, v3, vm0, $0xb8;
	[tilespmem:$0x10080] =	vst v63  }
0xce: {  	s30 =	simm.s32 $0xF080  }
0xcf: {  	[tilespmem:s30], [sflag:$0x1] =	stream.indirect_vreg.gather [hbm4b:s5+s3], $0x80, v3, vm0, $0xb8;
	[tilespmem:$0x10080] =	vst v63  }
0xd0: {  	s17 =	simm.s32 $0xF880  }
0xd1: {  	[tilespmem:s17], [sflag:$0x1] =	stream.indirect_vreg.gather [hbm4b:s6+s3], $0x80, v3, vm0, $0xb8;
	[tilespmem:$0x10080] =	vst v63  }
0xd2: {  	_ =	swait.ge [sflag:s18], $0x10000  }
0xd3: {  	[sflag:s18] =	ssyncset.done $0x0  }
0xd4: {  	s21 =	rddreg [dreg:$0x7];
	[sflag:s18] =	ssyncadd.s32 $0xFFFF0000  }
0xd5: {  	[hbm4b:s21+s3] =	stream.linear.scatter [tilespmem:s23], [sflag:$0x2], $0x10000, $0x38;
	[tilespmem:$0x10080] =	vst v63  }
0xd6: {  	_ =	swait.ge [sflag:s8], $0x10000  }
0xd7: {  	[sflag:s8] =	ssyncset.done $0x0  }
0xd8: {  	s17 =	rddreg [dreg:$0x8];
	[sflag:s8] =	ssyncadd.s32 $0xFFFF0000  }
0xd9: {  	[tilespmem:s3], [sflag:$0x2] =	stream.linear.gather [hbm4b:s17+s3], $0x40, $0x38;
	[tilespmem:$0x10080] =	vst v63  }
0xda: {  	_ =	swait.ge [sflag:s8], $0x40  }
0xdb: {  	[sflag:s8] =	ssyncset.done $0x0  }
0xdc: {  	[sflag:s8] =	ssyncadd.s32 $0xFFFFFFC0  }
0xdd: {  	v3 =	vld [tilespmem:$0x0];
	_ =	sdelay $0x4  }
0xde: {  	v56 =	vshll.u32 v3, $0x3  }
0xdf: {  	v3 =	vand.u32 $0x7, v3;
	v4 =	vand.u32 $0xFFFFFFC0, v56  }
0xe0: {  	v3 =	vor.u32 v3, v4  }
0xe1: {  	v4 =	vperm.xlane v3, v0;
	_ =	sdelay $0x1  }
0xe2: {  	v4 =	vadd.s32 v1, v4;
	_ =	sdelay $0x4  }
0xe3: {  	[tilespmem:s23], [sflag:$0x1] =	stream.indirect_vreg.gather [hbm4b:s1+s3], $0x80, v4, vm0, $0xb8;
	[tilespmem:$0x10080] =	vst v63  }
0xe4: {  	s21 =	simm.s32 $0x880;
	v3 =	vperm.xlane v3, v2  }
0xe5: {  	[tilespmem:s21], [sflag:$0x1] =	stream.indirect_vreg.gather [hbm4b:s4+s3], $0x80, v4, vm0, $0xb8;
	[tilespmem:$0x10080] =	vst v63  }
0xe6: {  	s25 =	simm.s32 $0x1080;
	v3 =	vadd.s32 v1, v3  }
0xe7: {  	[tilespmem:s25], [sflag:$0x1] =	stream.indirect_vreg.gather [hbm4b:s5+s3], $0x80, v4, vm0, $0xb8;
	[tilespmem:$0x10080] =	vst v63  }
0xe8: {  	s25 =	simm.s32 $0x1880  }
0xe9: {  	[tilespmem:s25], [sflag:$0x1] =	stream.indirect_vreg.gather [hbm4b:s6+s3], $0x80, v4, vm0, $0xb8;
	[tilespmem:$0x10080] =	vst v63  }
0xea: {  	s19 =	simm.s32 $0x2080  }
0xeb: {  	[tilespmem:s19], [sflag:$0x1] =	stream.indirect_vreg.gather [hbm4b:s1+s3], $0x80, v3, vm0, $0xb8;
	[tilespmem:$0x10080] =	vst v63  }
0xec: {  	s25 =	simm.s32 $0x2880  }
0xed: {  	[tilespmem:s25], [sflag:$0x1] =	stream.indirect_vreg.gather [hbm4b:s4+s3], $0x80, v3, vm0, $0xb8;
	[tilespmem:$0x10080] =	vst v63  }
0xee: {  	s19 =	simm.s32 $0x3080  }
0xef: {  	[tilespmem:s19], [sflag:$0x1] =	stream.indirect_vreg.gather [hbm4b:s5+s3], $0x80, v3, vm0, $0xb8;
	[tilespmem:$0x10080] =	vst v63  }
0xf0: {  	s25 =	simm.s32 $0x3880  }
0xf1: {  	[tilespmem:s25], [sflag:$0x1] =	stream.indirect_vreg.gather [hbm4b:s6+s3], $0x80, v3, vm0, $0xb8;
	[tilespmem:$0x10080] =	vst v63  }
0xf2: {  	v3 =	vld [tilespmem:$0x10];
	_ =	sdelay $0x4  }
0xf3: {  	v57 =	vshll.u32 v3, $0x3  }
0xf4: {  	v3 =	vand.u32 $0x7, v3;
	v4 =	vand.u32 $0xFFFFFFC0, v57  }
0xf5: {  	v3 =	vor.u32 v3, v4  }
0xf6: {  	v4 =	vperm.xlane v3, v0;
	_ =	sdelay $0x1  }
0xf7: {  	v4 =	vadd.s32 v1, v4;
	_ =	sdelay $0x4  }
0xf8: {  	[tilespmem:s16], [sflag:$0x1] =	stream.indirect_vreg.gather [hbm4b:s1+s3], $0x80, v4, vm0, $0xb8;
	[tilespmem:$0x10080] =	vst v63  }
0xf9: {  	s19 =	simm.s32 $0x4880;
	v3 =	vperm.xlane v3, v2  }
0xfa: {  	[tilespmem:s19], [sflag:$0x1] =	stream.indirect_vreg.gather [hbm4b:s4+s3], $0x80, v4, vm0, $0xb8;
	[tilespmem:$0x10080] =	vst v63  }
0xfb: {  	s25 =	simm.s32 $0x5080;
	v3 =	vadd.s32 v1, v3  }
0xfc: {  	[tilespmem:s25], [sflag:$0x1] =	stream.indirect_vreg.gather [hbm4b:s5+s3], $0x80, v4, vm0, $0xb8;
	[tilespmem:$0x10080] =	vst v63  }
0xfd: {  	_ = 	snop  }
0xfe: {  	[tilespmem:s31], [sflag:$0x1] =	stream.indirect_vreg.gather [hbm4b:s6+s3], $0x80, v4, vm0, $0xb8;
	[tilespmem:$0x10080] =	vst v63  }
0xff: {  	_ = 	snop  }
0x100: {  	[tilespmem:s0], [sflag:$0x1] =	stream.indirect_vreg.gather [hbm4b:s1+s3], $0x80, v3, vm0, $0xb8;
	[tilespmem:$0x10080] =	vst v63  }
0x101: {  	_ = 	snop  }
0x102: {  	[tilespmem:s2], [sflag:$0x1] =	stream.indirect_vreg.gather [hbm4b:s4+s3], $0x80, v3, vm0, $0xb8;
	[tilespmem:$0x10080] =	vst v63  }
0x103: {  	_ = 	snop  }
0x104: {  	[tilespmem:s9], [sflag:$0x1] =	stream.indirect_vreg.gather [hbm4b:s5+s3], $0x80, v3, vm0, $0xb8;
	[tilespmem:$0x10080] =	vst v63  }
0x105: {  	_ = 	snop  }
0x106: {  	[tilespmem:s13], [sflag:$0x1] =	stream.indirect_vreg.gather [hbm4b:s6+s3], $0x80, v3, vm0, $0xb8;
	[tilespmem:$0x10080] =	vst v63  }
0x107: {  	v3 =	vld [tilespmem:$0x20];
	_ =	sdelay $0x4  }
0x108: {  	v58 =	vshll.u32 v3, $0x3  }
0x109: {  	v3 =	vand.u32 $0x7, v3;
	v4 =	vand.u32 $0xFFFFFFC0, v58  }
0x10a: {  	v3 =	vor.u32 v3, v4  }
0x10b: {  	v4 =	vperm.xlane v3, v0;
	_ =	sdelay $0x1  }
0x10c: {  	v4 =	vadd.s32 v1, v4;
	_ =	sdelay $0x4  }
0x10d: {  	[tilespmem:s14], [sflag:$0x1] =	stream.indirect_vreg.gather [hbm4b:s1+s3], $0x80, v4, vm0, $0xb8;
	[tilespmem:$0x10080] =	vst v63  }
0x10e: {  	v3 =	vperm.xlane v3, v2  }
0x10f: {  	[tilespmem:s15], [sflag:$0x1] =	stream.indirect_vreg.gather [hbm4b:s4+s3], $0x80, v4, vm0, $0xb8;
	[tilespmem:$0x10080] =	vst v63  }
0x110: {  	v3 =	vadd.s32 v1, v3  }
0x111: {  	[tilespmem:s10], [sflag:$0x1] =	stream.indirect_vreg.gather [hbm4b:s5+s3], $0x80, v4, vm0, $0xb8;
	[tilespmem:$0x10080] =	vst v63  }
0x112: {  	_ = 	snop  }
0x113: {  	[tilespmem:s11], [sflag:$0x1] =	stream.indirect_vreg.gather [hbm4b:s6+s3], $0x80, v4, vm0, $0xb8;
	[tilespmem:$0x10080] =	vst v63  }
0x114: {  	_ = 	snop  }
0x115: {  	[tilespmem:s12], [sflag:$0x1] =	stream.indirect_vreg.gather [hbm4b:s1+s3], $0x80, v3, vm0, $0xb8;
	[tilespmem:$0x10080] =	vst v63  }
0x116: {  	s24 =	simm.s32 $0xA880  }
0x117: {  	[tilespmem:s24], [sflag:$0x1] =	stream.indirect_vreg.gather [hbm4b:s4+s3], $0x80, v3, vm0, $0xb8;
	[tilespmem:$0x10080] =	vst v63  }
0x118: {  	s28 =	simm.s32 $0xB080  }
0x119: {  	[tilespmem:s28], [sflag:$0x1] =	stream.indirect_vreg.gather [hbm4b:s5+s3], $0x80, v3, vm0, $0xb8;
	[tilespmem:$0x10080] =	vst v63  }
0x11a: {  	s28 =	simm.s32 $0xB880  }
0x11b: {  	[tilespmem:s28], [sflag:$0x1] =	stream.indirect_vreg.gather [hbm4b:s6+s3], $0x80, v3, vm0, $0xb8;
	[tilespmem:$0x10080] =	vst v63  }
0x11c: {  	v3 =	vld [tilespmem:$0x30];
	_ =	sdelay $0x4  }
0x11d: {  	v59 =	vshll.u32 v3, $0x3  }
0x11e: {  	v3 =	vand.u32 $0x7, v3;
	v4 =	vand.u32 $0xFFFFFFC0, v59  }
0x11f: {  	v3 =	vor.u32 v3, v4  }
0x120: {  	v4 =	vperm.xlane v3, v0;
	_ =	sdelay $0x1  }
0x121: {  	v4 =	vadd.s32 v1, v4;
	_ =	sdelay $0x3  }
0x122: {  	s24 =	simm.s32 $0xC080  }
0x123: {  	[tilespmem:s24], [sflag:$0x1] =	stream.indirect_vreg.gather [hbm4b:s1+s3], $0x80, v4, vm0, $0xb8;
	[tilespmem:$0x10080] =	vst v63  }
0x124: {  	s25 =	simm.s32 $0xC880;
	v3 =	vperm.xlane v3, v2  }
0x125: {  	[tilespmem:s25], [sflag:$0x1] =	stream.indirect_vreg.gather [hbm4b:s4+s3], $0x80, v4, vm0, $0xb8;
	[tilespmem:$0x10080] =	vst v63  }
0x126: {  	s20 =	simm.s32 $0xD080;
	v3 =	vadd.s32 v1, v3  }
0x127: {  	[tilespmem:s20], [sflag:$0x1] =	stream.indirect_vreg.gather [hbm4b:s5+s3], $0x80, v4, vm0, $0xb8;
	[tilespmem:$0x10080] =	vst v63  }
0x128: {  	s22 =	simm.s32 $0xD880  }
0x129: {  	[tilespmem:s22], [sflag:$0x1] =	stream.indirect_vreg.gather [hbm4b:s6+s3], $0x80, v4, vm0, $0xb8;
	[tilespmem:$0x10080] =	vst v63  }
0x12a: {  	s29 =	simm.s32 $0xE080  }
0x12b: {  	[tilespmem:s29], [sflag:$0x1] =	stream.indirect_vreg.gather [hbm4b:s1+s3], $0x80, v3, vm0, $0xb8;
	[tilespmem:$0x10080] =	vst v63  }
0x12c: {  	s26 =	simm.s32 $0xE880  }
0x12d: {  	[tilespmem:s26], [sflag:$0x1] =	stream.indirect_vreg.gather [hbm4b:s4+s3], $0x80, v3, vm0, $0xb8;
	[tilespmem:$0x10080] =	vst v63  }
0x12e: {  	s30 =	simm.s32 $0xF080  }
0x12f: {  	[tilespmem:s30], [sflag:$0x1] =	stream.indirect_vreg.gather [hbm4b:s5+s3], $0x80, v3, vm0, $0xb8;
	[tilespmem:$0x10080] =	vst v63  }
0x130: {  	s26 =	simm.s32 $0xF880  }
0x131: {  	[tilespmem:s26], [sflag:$0x1] =	stream.indirect_vreg.gather [hbm4b:s6+s3], $0x80, v3, vm0, $0xb8;
	[tilespmem:$0x10080] =	vst v63  }
0x132: {  	_ =	swait.ge [sflag:s18], $0x10000  }
0x133: {  	[sflag:s18] =	ssyncset.done $0x0  }
0x134: {  	s29 =	rddreg [dreg:$0x9];
	[sflag:s18] =	ssyncadd.s32 $0xFFFF0000  }
0x135: {  	[hbm4b:s29+s3] =	stream.linear.scatter [tilespmem:s23], [sflag:$0x2], $0x10000, $0x38;
	[tilespmem:$0x10080] =	vst v63  }
0x136: {  	_ =	swait.ge [sflag:s8], $0x10000  }
0x137: {  	[sflag:s8] =	ssyncset.done $0x0  }
0x138: {  	s30 =	rddreg [dreg:$0xa];
	[sflag:s8] =	ssyncadd.s32 $0xFFFF0000  }
0x139: {  	[tilespmem:s3], [sflag:$0x2] =	stream.linear.gather [hbm4b:s30+s3], $0x40, $0x38;
	[tilespmem:$0x10080] =	vst v63  }
0x13a: {  	_ =	swait.ge [sflag:s8], $0x40  }
0x13b: {  	[sflag:s8] =	ssyncset.done $0x0  }
0x13c: {  	[sflag:s8] =	ssyncadd.s32 $0xFFFFFFC0  }
0x13d: {  	v3 =	vld [tilespmem:$0x0];
	_ =	sdelay $0x4  }
0x13e: {  	v60 =	vshll.u32 v3, $0x3  }
0x13f: {  	v3 =	vand.u32 $0x7, v3;
	v4 =	vand.u32 $0xFFFFFFC0, v60  }
0x140: {  	v3 =	vor.u32 v3, v4  }
0x141: {  	v4 =	vperm.xlane v3, v0;
	_ =	sdelay $0x1  }
0x142: {  	v4 =	vadd.s32 v1, v4;
	_ =	sdelay $0x4  }
0x143: {  	[tilespmem:s23], [sflag:$0x1] =	stream.indirect_vreg.gather [hbm4b:s1+s3], $0x80, v4, vm0, $0xb8;
	[tilespmem:$0x10080] =	vst v63  }
0x144: {  	s29 =	simm.s32 $0x880;
	v3 =	vperm.xlane v3, v2  }
0x145: {  	[tilespmem:s29], [sflag:$0x1] =	stream.indirect_vreg.gather [hbm4b:s4+s3], $0x80, v4, vm0, $0xb8;
	[tilespmem:$0x10080] =	vst v63  }
0x146: {  	s21 =	simm.s32 $0x1080;
	v3 =	vadd.s32 v1, v3  }
0x147: {  	[tilespmem:s21], [sflag:$0x1] =	stream.indirect_vreg.gather [hbm4b:s5+s3], $0x80, v4, vm0, $0xb8;
	[tilespmem:$0x10080] =	vst v63  }
0x148: {  	s30 =	simm.s32 $0x1880  }
0x149: {  	[tilespmem:s30], [sflag:$0x1] =	stream.indirect_vreg.gather [hbm4b:s6+s3], $0x80, v4, vm0, $0xb8;
	[tilespmem:$0x10080] =	vst v63  }
0x14a: {  	s21 =	simm.s32 $0x2080  }
0x14b: {  	[tilespmem:s21], [sflag:$0x1] =	stream.indirect_vreg.gather [hbm4b:s1+s3], $0x80, v3, vm0, $0xb8;
	[tilespmem:$0x10080] =	vst v63  }
0x14c: {  	s29 =	simm.s32 $0x2880  }
0x14d: {  	[tilespmem:s29], [sflag:$0x1] =	stream.indirect_vreg.gather [hbm4b:s4+s3], $0x80, v3, vm0, $0xb8;
	[tilespmem:$0x10080] =	vst v63  }
0x14e: {  	s30 =	simm.s32 $0x3080  }
0x14f: {  	[tilespmem:s30], [sflag:$0x1] =	stream.indirect_vreg.gather [hbm4b:s5+s3], $0x80, v3, vm0, $0xb8;
	[tilespmem:$0x10080] =	vst v63  }
0x150: {  	s21 =	simm.s32 $0x3880  }
0x151: {  	[tilespmem:s21], [sflag:$0x1] =	stream.indirect_vreg.gather [hbm4b:s6+s3], $0x80, v3, vm0, $0xb8;
	[tilespmem:$0x10080] =	vst v63  }
0x152: {  	v3 =	vld [tilespmem:$0x10];
	_ =	sdelay $0x4  }
0x153: {  	v61 =	vshll.u32 v3, $0x3  }
0x154: {  	v3 =	vand.u32 $0x7, v3;
	v4 =	vand.u32 $0xFFFFFFC0, v61  }
0x155: {  	v3 =	vor.u32 v3, v4  }
0x156: {  	v4 =	vperm.xlane v3, v0;
	_ =	sdelay $0x1  }
0x157: {  	v4 =	vadd.s32 v1, v4;
	_ =	sdelay $0x3  }
0x158: {  	s16 =	simm.s32 $0x4080  }
0x159: {  	[tilespmem:s16], [sflag:$0x1] =	stream.indirect_vreg.gather [hbm4b:s1+s3], $0x80, v4, vm0, $0xb8;
	[tilespmem:$0x10080] =	vst v63  }
0x15a: {  	s29 =	simm.s32 $0x4880;
	v3 =	vperm.xlane v3, v2  }
0x15b: {  	[tilespmem:s29], [sflag:$0x1] =	stream.indirect_vreg.gather [hbm4b:s4+s3], $0x80, v4, vm0, $0xb8;
	[tilespmem:$0x10080] =	vst v63  }
0x15c: {  	s30 =	simm.s32 $0x5080;
	v3 =	vadd.s32 v1, v3  }
0x15d: {  	[tilespmem:s30], [sflag:$0x1] =	stream.indirect_vreg.gather [hbm4b:s5+s3], $0x80, v4, vm0, $0xb8;
	[tilespmem:$0x10080] =	vst v63  }
0x15e: {  	s17 =	simm.s32 $0x5880  }
0x15f: {  	[tilespmem:s17], [sflag:$0x1] =	stream.indirect_vreg.gather [hbm4b:s6+s3], $0x80, v4, vm0, $0xb8;
	[tilespmem:$0x10080] =	vst v63  }
0x160: {  	s0 =	simm.s32 $0x6080  }
0x161: {  	[tilespmem:s0], [sflag:$0x1] =	stream.indirect_vreg.gather [hbm4b:s1+s3], $0x80, v3, vm0, $0xb8;
	[tilespmem:$0x10080] =	vst v63  }
0x162: {  	s2 =	simm.s32 $0x6880  }
0x163: {  	[tilespmem:s2], [sflag:$0x1] =	stream.indirect_vreg.gather [hbm4b:s4+s3], $0x80, v3, vm0, $0xb8;
	[tilespmem:$0x10080] =	vst v63  }
0x164: {  	s9 =	simm.s32 $0x7080  }
0x165: {  	[tilespmem:s9], [sflag:$0x1] =	stream.indirect_vreg.gather [hbm4b:s5+s3], $0x80, v3, vm0, $0xb8;
	[tilespmem:$0x10080] =	vst v63  }
0x166: {  	s13 =	simm.s32 $0x7880  }
0x167: {  	[tilespmem:s13], [sflag:$0x1] =	stream.indirect_vreg.gather [hbm4b:s6+s3], $0x80, v3, vm0, $0xb8;
	[tilespmem:$0x10080] =	vst v63  }
0x168: {  	v3 =	vld [tilespmem:$0x20];
	_ =	sdelay $0x4  }
0x169: {  	v62 =	vshll.u32 v3, $0x3  }
0x16a: {  	v3 =	vand.u32 $0x7, v3;
	v4 =	vand.u32 $0xFFFFFFC0, v62  }
0x16b: {  	v3 =	vor.u32 v3, v4  }
0x16c: {  	v4 =	vperm.xlane v3, v0;
	_ =	sdelay $0x1  }
0x16d: {  	v4 =	vadd.s32 v1, v4;
	_ =	sdelay $0x3  }
0x16e: {  	s14 =	simm.s32 $0x8080  }
0x16f: {  	[tilespmem:s14], [sflag:$0x1] =	stream.indirect_vreg.gather [hbm4b:s1+s3], $0x80, v4, vm0, $0xb8;
	[tilespmem:$0x10080] =	vst v63  }
0x170: {  	s15 =	simm.s32 $0x8880;
	v3 =	vperm.xlane v3, v2  }
0x171: {  	[tilespmem:s15], [sflag:$0x1] =	stream.indirect_vreg.gather [hbm4b:s4+s3], $0x80, v4, vm0, $0xb8;
	[tilespmem:$0x10080] =	vst v63  }
0x172: {  	s10 =	simm.s32 $0x9080;
	v3 =	vadd.s32 v1, v3  }
0x173: {  	[tilespmem:s10], [sflag:$0x1] =	stream.indirect_vreg.gather [hbm4b:s5+s3], $0x80, v4, vm0, $0xb8;
	[tilespmem:$0x10080] =	vst v63  }
0x174: {  	s11 =	simm.s32 $0x9880  }
0x175: {  	[tilespmem:s11], [sflag:$0x1] =	stream.indirect_vreg.gather [hbm4b:s6+s3], $0x80, v4, vm0, $0xb8;
	[tilespmem:$0x10080] =	vst v63  }
0x176: {  	s12 =	simm.s32 $0xA080  }
0x177: {  	[tilespmem:s12], [sflag:$0x1] =	stream.indirect_vreg.gather [hbm4b:s1+s3], $0x80, v3, vm0, $0xb8;
	[tilespmem:$0x10080] =	vst v63  }
0x178: {  	s31 =	simm.s32 $0xA880  }
0x179: {  	[tilespmem:s31], [sflag:$0x1] =	stream.indirect_vreg.gather [hbm4b:s4+s3], $0x80, v3, vm0, $0xb8;
	[tilespmem:$0x10080] =	vst v63  }
0x17a: {  	s19 =	simm.s32 $0xB080  }
0x17b: {  	[tilespmem:s19], [sflag:$0x1] =	stream.indirect_vreg.gather [hbm4b:s5+s3], $0x80, v3, vm0, $0xb8;
	[tilespmem:$0x10080] =	vst v63  }
0x17c: {  	s21 =	simm.s32 $0xB880  }
0x17d: {  	[tilespmem:s21], [sflag:$0x1] =	stream.indirect_vreg.gather [hbm4b:s6+s3], $0x80, v3, vm0, $0xb8;
	[tilespmem:$0x10080] =	vst v63  }
0x17e: {  	v3 =	vld [tilespmem:$0x30];
	_ =	sdelay $0x4  }
0x17f: {  	v63 =	vshll.u32 v3, $0x3  }
0x180: {  	v3 =	vand.u32 $0x7, v3;
	v4 =	vand.u32 $0xFFFFFFC0, v63  }
0x181: {  	v3 =	vor.u32 v3, v4  }
0x182: {  	v4 =	vperm.xlane v3, v0;
	_ =	sdelay $0x1  }
0x183: {  	v4 =	vadd.s32 v1, v4;
	_ =	sdelay $0x3  }
0x184: {  	s29 =	simm.s32 $0xC080  }
0x185: {  	[tilespmem:s29], [sflag:$0x1] =	stream.indirect_vreg.gather [hbm4b:s1+s3], $0x80, v4, vm0, $0xb8;
	[tilespmem:$0x10080] =	vst v63  }
0x186: {  	s30 =	simm.s32 $0xC880;
	v3 =	vperm.xlane v3, v2  }
0x187: {  	[tilespmem:s30], [sflag:$0x1] =	stream.indirect_vreg.gather [hbm4b:s4+s3], $0x80, v4, vm0, $0xb8;
	[tilespmem:$0x10080] =	vst v63  }
0x188: {  	s28 =	simm.s32 $0xD080;
	v3 =	vadd.s32 v1, v3  }
0x189: {  	[tilespmem:s28], [sflag:$0x1] =	stream.indirect_vreg.gather [hbm4b:s5+s3], $0x80, v4, vm0, $0xb8;
	[tilespmem:$0x10080] =	vst v63  }
0x18a: {  	s20 =	simm.s32 $0xD880  }
0x18b: {  	[tilespmem:s20], [sflag:$0x1] =	stream.indirect_vreg.gather [hbm4b:s6+s3], $0x80, v4, vm0, $0xb8;
	[tilespmem:$0x10080] =	vst v63  }
0x18c: {  	s24 =	simm.s32 $0xE080  }
0x18d: {  	[tilespmem:s24], [sflag:$0x1] =	stream.indirect_vreg.gather [hbm4b:s1+s3], $0x80, v3, vm0, $0xb8;
	[tilespmem:$0x10080] =	vst v63  }
0x18e: {  	s22 =	simm.s32 $0xE880  }
0x18f: {  	[tilespmem:s22], [sflag:$0x1] =	stream.indirect_vreg.gather [hbm4b:s4+s3], $0x80, v3, vm0, $0xb8;
	[tilespmem:$0x10080] =	vst v63  }
0x190: {  	s25 =	simm.s32 $0xF080  }
0x191: {  	[tilespmem:s25], [sflag:$0x1] =	stream.indirect_vreg.gather [hbm4b:s5+s3], $0x80, v3, vm0, $0xb8;
	[tilespmem:$0x10080] =	vst v63  }
0x192: {  	s26 =	simm.s32 $0xF880  }
0x193: {  	[tilespmem:s26], [sflag:$0x1] =	stream.indirect_vreg.gather [hbm4b:s6+s3], $0x80, v3, vm0, $0xb8;
	[tilespmem:$0x10080] =	vst v63  }
0x194: {  	_ =	swait.ge [sflag:s18], $0x10000  }
0x195: {  	p0 =	sne.s32 s7, $0x1;
	[sflag:s18] =	ssyncset.done $0x0  }
.Ltmp0:
0x196: {  	s31 =	rddreg [dreg:$0xb];
	[sflag:s18] =	ssyncadd.s32 $0xFFFF0000;
	(pc) =	sbr.rel @p0 .LBB2_1-.Ltmp0, $4  }
0x197: {  	[hbm4b:s31+s3] =	stream.linear.scatter [tilespmem:s23], [sflag:$0x2], $0x10000, $0x38;
	[tilespmem:$0x10080] =	vst v63  }
0x198: {  	_ =	swait.ge [sflag:s8], $0x10000  }
0x199: {  	[sflag:s8] =	ssyncset.done $0x0  }
0x19a: {  	s7 =	sadd.s32 $0xFFFFFFFF, s7;
	[sflag:s8] =	ssyncadd.s32 $0xFFFF0000  }
0x19b: {  	_ =	sfence.sel $0x180000  }
0x19c: {  	[bflag:$0x0] =	sbarrier.arrive $0xFFFF  }
0x19d: {  	_ =	strace $0x90000047  }
0x19e: {  	s0 =	stileid.u32;
	[bflag:$0x2] =	sbarrier.arrive $0xFFFF  }
0x19f: {  	p0 =	sne.s32 s0, $0x0;
	s0 =	rddreg [dreg:$0x3]  }
0x1a0: {  	s0 =	sadd.s32 @!p0 $0x100000, s0  }
0x1a1: {  	[sflag:s0] =	ssyncadd.tile.s32 @!p0 $0x1;
	_ =	shalt  }
.Lfunc_end2:
_tile_overlayer_lowered:
.L_overlay_start_2:
0x1a2: {  	(tag) =	ssettag $0x2  }
0x1a3: {  	s0 =	rddreg [dreg:$0x0];
	s2 =	stileid.u32  }
0x1a4: {  	s1 =	rddreg [dreg:$0x1];
	p0 =	sne.s32 s2, $0x0  }
0x1a5: {  	s3 =	rddreg [dreg:$0x2];
	[bflag:$0x3] =	sbarrier.arrive $0xFFFF;
	s2 =	simm.s32 @!p0 $0x1C02  }
0x1a6: {  	[timem:s3], [sflag:s2] =	dma.local @!p0 [hbm:s0], s1  }
0x1a7: {  	s0 =	simm.s32 @!p0 $0x2  }
0x1a8: {  	_ =	swait.ge @!p0 [sflag:s0], s1  }
0x1a9: {  	s1 =	ssub.s32 @!p0 $0x0, s1;
	[sflag:s0] =	ssyncset.done @!p0 $0x0  }
0x1aa: {  	[sflag:s0] =	ssyncadd.s32 @!p0 s1  }
0x1ab: {  	[bflag:$0x3] =	sbarrier.arrive $0xFFFF  }
0x1ac: {  	_ =	shalt  }

</sc_bundles>
